<compile_context>
chip_gen: v7x
topology: tpu7x:2x2x1
jax: 0.10.2.dev20260603
libtpu: 0.0.44.dev20260713+nightly
codegen_flags: <defaults>
</compile_context>

<pallas_src>
import functools

import jax
import jax.numpy as jnp
from jax import lax
from jax.experimental import pallas as pl
from jax.experimental.pallas import tpu as pltpu
from jax.experimental.pallas import tpu_sc as plsc

B = 16
N = 4096
M = 4096
K = 16
L = 16
NBLK = M // L
NW = 32
WPB = NW // B
QPW = N // WPB
P = 2
UA = 8
UB = 8
SD = NBLK


def _knn_body(qt_hbm, kt_hbm, idx_out, dist_out,
              keys_v, q_v, ksq_v, dbuf_v, ci_v, od_v, oi_v):
    cid = lax.axis_index("c")
    sid = lax.axis_index("s")
    wid = sid * 2 + cid
    b = wid // WPB
    h = wid % WPB

    pltpu.sync_copy(kt_hbm.at[b], keys_v)
    pltpu.sync_copy(qt_hbm.at[b], q_v)

    iota = lax.iota(jnp.int32, L)
    zero_i = jnp.zeros((L,), jnp.int32)
    one_i = jnp.full((L,), 1, jnp.int32)
    inf = jnp.float32(jnp.inf)
    inf_v = jnp.full((L,), inf, dtype=jnp.float32)
    fifteen = jnp.full((L,), 15, dtype=jnp.int32)

    gdn = lax.GatherDimensionNumbers(
        offset_dims=(), collapsed_slice_dims=(0,), start_index_map=(0,))

    def gather16(vec, idx):
        return lax.gather(vec, idx[:, None], gdn, (1,),
                          mode=lax.GatherScatterMode.PROMISE_IN_BOUNDS)

    def splat(vec, lane):
        return gather16(vec, jnp.full((L,), lane, dtype=jnp.int32))

    def round_bf16(x):
        bits = plsc.bitcast(x, jnp.int32)
        lsb = lax.shift_right_logical(bits, 16) & 1
        rounded = (bits + 0x7FFF + lsb) & jnp.int32(-65536)
        return plsc.bitcast(rounded, jnp.float32)

    def ksq_body(i, _):
        kx = keys_v[pl.ds(i * L, L)]
        ky = keys_v[pl.ds(M + i * L, L)]
        kz = keys_v[pl.ds(2 * M + i * L, L)]
        ksq_v[pl.ds(i * L, L)] = kx * kx + ky * ky + kz * kz
        keys_v[pl.ds(i * L, L)] = round_bf16(kx)
        keys_v[pl.ds(M + i * L, L)] = round_bf16(ky)
        keys_v[pl.ds(2 * M + i * L, L)] = round_bf16(kz)
        return 0

    lax.fori_loop(0, NBLK, ksq_body, 0)

    stack_base = iota * SD

    def per_pair(p, _):
        q0 = P * p
        g16 = h * QPW + (q0 // L) * L
        lane0 = q0 % L
        qxv = q_v[pl.ds(g16, L)]
        qyv = q_v[pl.ds(N + g16, L)]
        qzv = q_v[pl.ds(2 * N + g16, L)]

        qsq, qx2, qy2, qz2 = [], [], [], []
        for s in range(P):
            qx = splat(qxv, lane0 + s)
            qy = splat(qyv, lane0 + s)
            qz = splat(qzv, lane0 + s)
            qsq.append(qx * qx + qy * qy + qz * qz)
            qx2.append(-2.0 * round_bf16(qx))
            qy2.append(-2.0 * round_bf16(qy))
            qz2.append(-2.0 * round_bf16(qz))

        def pass_a(ib, rs):
            rs = list(rs)
            ks = []
            for j in range(UA):
                i = UA * ib + j
                ks.append((keys_v[pl.ds(i * L, L)],
                           keys_v[pl.ds(M + i * L, L)],
                           keys_v[pl.ds(2 * M + i * L, L)],
                           ksq_v[pl.ds(i * L, L)]))
            for j in range(UA):
                i = UA * ib + j
                kx, ky, kz, ksq = ks[j]
                for s in range(P):
                    dot2 = (qx2[s] * kx + qy2[s] * ky) + qz2[s] * kz
                    d = (dot2 + qsq[s]) + ksq
                    dbuf_v[pl.ds(s * M + i * L, L)] = d
                    rs[s] = jnp.minimum(rs[s], d)
            return tuple(rs)

        rs = lax.fori_loop(0, NBLK // UA, pass_a, (inf_v,) * P)

        ts = []
        for s in range(P):
            rsort, _ = plsc.sort_key_val(rs[s], iota)
            ts.append(gather16(rsort, fifteen))

        def pass_b(ib, poss):
            poss = list(poss)
            dl = []
            for j in range(UB):
                i = UB * ib + j
                for s in range(P):
                    dl.append(dbuf_v[pl.ds(s * M + i * L, L)])
            ml = []
            for j in range(UB):
                for s in range(P):
                    ml.append(dl[j * P + s] <= ts[s])
            for j in range(UB):
                i = UB * ib + j
                for s in range(P):
                    idxv = iota + (i * L + s * M)
                    m = ml[j * P + s]
                    plsc.store_scatter(ci_v, [poss[s]], idxv, mask=m)
                    poss[s] = poss[s] + jnp.where(m, one_i, zero_i)
            return tuple(poss)

        pos0 = tuple(stack_base + s * M for s in range(P))
        poss = lax.fori_loop(0, NBLK // UB, pass_b, pos0)

        cvecs = [poss[s] - pos0[s] for s in range(P)]
        maxc = jnp.max(jnp.maximum(cvecs[0], cvecs[1]))

        def merge(j, c):
            out = []
            for s in range(P):
                T, Ti = c[2 * s], c[2 * s + 1]
                valid = cvecs[s] > j
                gidx = stack_base + (s * M + j)
                ci = plsc.load_gather(ci_v, [gidx], mask=valid)
                cd = plsc.load_gather(dbuf_v, [ci], mask=valid)
                cd = jnp.where(valid, cd, inf)
                cs_, cis_ = plsc.sort_key_val(cd, ci)
                cr = lax.rev(cs_, (0,))
                cir = lax.rev(cis_, (0,))
                keep = T <= cr
                tv = jnp.where(keep, T, cr)
                tiv = jnp.where(keep, Ti, cir)
                t2, ti2 = plsc.sort_key_val(tv, tiv)
                out += [t2, ti2]
            return tuple(out)

        res = lax.fori_loop(0, maxc, merge, (inf_v, zero_i) * P)
        for s in range(P):
            od_v[pl.ds((q0 + s) * K, K)] = res[2 * s]
            oi_v[pl.ds((q0 + s) * K, K)] = res[2 * s + 1] - s * M
        return 0

    lax.fori_loop(0, QPW // P, per_pair, 0)

    pltpu.sync_copy(od_v, dist_out.at[b, pl.ds(h * QPW * K, QPW * K)])
    pltpu.sync_copy(oi_v, idx_out.at[b, pl.ds(h * QPW * K, QPW * K)])


@jax.jit
def _knn(qt, kt):
    mesh = plsc.VectorSubcoreMesh(core_axis_name="c", subcore_axis_name="s")
    f = functools.partial(
        pl.kernel,
        out_type=(
            jax.ShapeDtypeStruct((B, N * K), jnp.int32),
            jax.ShapeDtypeStruct((B, N * K), jnp.float32),
        ),
        mesh=mesh,
        compiler_params=pltpu.CompilerParams(needs_layout_passes=False),
        scratch_types=[
            pltpu.VMEM((3 * M,), jnp.float32),
            pltpu.VMEM((3 * N,), jnp.float32),
            pltpu.VMEM((M,), jnp.float32),
            pltpu.VMEM((P * M,), jnp.float32),
            pltpu.VMEM((P * M,), jnp.int32),
            pltpu.VMEM((QPW * K,), jnp.float32),
            pltpu.VMEM((QPW * K,), jnp.int32),
        ],
    )(_knn_body)
    return f(qt, kt)


def kernel(new_xyz, xyz, k):
    del k
    qt = jnp.transpose(new_xyz, (0, 2, 1)).reshape(B, 3 * N)
    kt = jnp.transpose(xyz, (0, 2, 1)).reshape(B, 3 * M)
    idx, dist = _knn(qt, kt)
    return idx.reshape(B, N, K), dist.reshape(B, N, K)

# --- scband reference (transcript-rebuilt; emitter-appended) ---
"""Pipeline reference for scband-spupmdnet-5866925326381 (READ-ONLY COPY).

The authoritative reference and input builder live on the scoring server;
editing this copy changes nothing except your own understanding.
"""

import jax, jax.numpy as jnp
import numpy as np


def setup_inputs(seed: int = 0) -> dict:
    key = jax.random.key(seed)
    k1, k2 = jax.random.split(key)
    new_xyz = jax.random.normal(k1, (16, 4096, 3), dtype=jnp.float32)
    xyz = jax.random.normal(k2, (16, 4096, 3), dtype=jnp.float32)
    return {"new_xyz": new_xyz, "xyz": xyz, "k": 16}


def reference(new_xyz, xyz, k):
    # square_distance: ||src||^2 + ||dst||^2 - 2 src . dst, shape [B, N, M]
    dist = -2.0 * jnp.einsum('bnc,bmc->bnm', new_xyz, xyz)
    dist = dist + jnp.sum(new_xyz ** 2, axis=-1)[:, :, None]
    dist = dist + jnp.sum(xyz ** 2, axis=-1)[:, None, :]
    # query_knn_point: topk with largest=False -> top_k of negated distances
    k_static = 16
    dist = dist + (jnp.asarray(k, dtype=dist.dtype) * 0.0)
    neg_vals, group_idx = jax.lax.top_k(-dist, k_static)
    knn_dist = -neg_vals
    return group_idx.astype(jnp.int32), knn_dist

if __name__ == "__main__":
    import jax
    _d = setup_inputs()
    print(jax.jit(kernel)(*tuple(_d.values())))

</pallas_src>

<mosaic_0001>
#map = affine_map<(d0, d1) -> (0, 0)>
module attributes {stable_mosaic.version = 14 : i64} {
  func.func @_knn_body(%arg0: i32, %arg1: i32, %arg2: memref<16x12288xf32, #tpu.memory_space<hbm>>, %arg3: memref<16x12288xf32, #tpu.memory_space<hbm>>, %arg4: memref<16x65536xi32, #tpu.memory_space<hbm>>, %arg5: memref<16x65536xf32, #tpu.memory_space<hbm>>, %arg6: memref<12288xf32, #tpu.memory_space<vmem>>, %arg7: memref<12288xf32, #tpu.memory_space<vmem>>, %arg8: memref<4096xf32, #tpu.memory_space<vmem>>, %arg9: memref<8192xf32, #tpu.memory_space<vmem>>, %arg10: memref<8192xi32, #tpu.memory_space<vmem>>, %arg11: memref<32768xf32, #tpu.memory_space<vmem>>, %arg12: memref<32768xi32, #tpu.memory_space<vmem>>) attributes {dimension_semantics = [#tpu.dimension_semantics<core_parallel>, #tpu.dimension_semantics<subcore_parallel>], iteration_bounds = array<i64: 2, 16>, scalar_prefetch = 0 : i64, scratch_operands = 7 : i64, tpu.core_type = #tpu.core_type<sc_vector_subcore>, window_params = [{transform_indices = #map}, {transform_indices = #map}, {transform_indices = #map}, {transform_indices = #map}]} {
    %mul3A = arith.constant 2 : i32
    %mul3A_0 = arith.muli %arg1, %mul3A : i32
    %add3A = arith.addi %mul3A_0, %arg0 : i32
    %jit3A = arith.constant 2 : i32
    %div3A = arith.divsi %add3A, %jit3A : i32
    %sign3A = arith.constant 0 : i32
    %sign3A_1 = arith.cmpi sgt, %add3A, %sign3A : i32
    %sign3A_2 = arith.extui %sign3A_1 : i1 to i32
    %sign3A_3 = arith.constant 0 : i32
    %sign3A_4 = arith.cmpi slt, %add3A, %sign3A_3 : i32
    %sign3A_5 = arith.extui %sign3A_4 : i1 to i32
    %sign3A_6 = arith.subi %sign3A_2, %sign3A_5 : i32
    %sign3A_7 = arith.constant 0 : i32
    %sign3A_8 = arith.cmpi sgt, %jit3A, %sign3A_7 : i32
    %sign3A_9 = arith.extui %sign3A_8 : i1 to i32
    %sign3A_10 = arith.constant 0 : i32
    %sign3A_11 = arith.cmpi slt, %jit3A, %sign3A_10 : i32
    %sign3A_12 = arith.extui %sign3A_11 : i1 to i32
    %sign3A_13 = arith.subi %sign3A_9, %sign3A_12 : i32
    %ne3A = arith.cmpi ne, %sign3A_6, %sign3A_13 : i32
    %rem3A = arith.remsi %add3A, %jit3A : i32
    %ne3A_14 = arith.constant 0 : i32
    %ne3A_15 = arith.cmpi ne, %rem3A, %ne3A_14 : i32
    %and3A = arith.andi %ne3A, %ne3A_15 : i1
    %sub3A = arith.constant 1 : i32
    %sub3A_16 = arith.subi %div3A, %sub3A : i32
    %select_n3A = arith.select %and3A, %sub3A_16, %div3A : i32
    %jit3A_17 = arith.constant 2 : i32
    %eq3A = arith.constant 0 : i32
    %eq3A_18 = arith.cmpi eq, %jit3A_17, %eq3A : i32
    %jit3A_19 = arith.constant 1 : i32
    %select_n3A_20 = arith.select %eq3A_18, %jit3A_19, %jit3A_17 : i32
    %rem3A_21 = arith.remsi %add3A, %select_n3A_20 : i32
    %ne3A_22 = arith.constant 0 : i32
    %ne3A_23 = arith.cmpi ne, %rem3A_21, %ne3A_22 : i32
    %lt3A = arith.constant 0 : i32
    %lt3A_24 = arith.cmpi slt, %rem3A_21, %lt3A : i32
    %lt3A_25 = arith.constant 0 : i32
    %lt3A_26 = arith.cmpi slt, %select_n3A_20, %lt3A_25 : i32
    %ne3A_27 = arith.xori %lt3A_24, %lt3A_26 : i1
    %and3A_28 = arith.andi %ne3A_27, %ne3A_23 : i1
    %add3A_29 = arith.addi %rem3A_21, %select_n3A_20 : i32
    %select_n3A_30 = arith.select %and3A_28, %add3A_29, %rem3A_21 : i32
    "tpu.region"() ({
      %run_scoped3A = tpu.sem_alloc : memref<!tpu.dma_semaphore, #tpu.memory_space<semaphore_mem>>
      %dma_start3A = arith.constant 0 : i32
      %dma_start3A_63 = tpu.memref_slice %arg3[%select_n3A, %dma_start3A] : memref<16x12288xf32, #tpu.memory_space<hbm>> -> memref<1x12288xf32, #tpu.memory_space<hbm>>
      %dma_start3A_64 = tpu.memref_squeeze %dma_start3A_63 : memref<1x12288xf32, #tpu.memory_space<hbm>> -> memref<12288xf32, #tpu.memory_space<hbm>>
      %dma_start3A_65 = arith.constant 0 : i32
      %dma_start3A_66 = tpu.memref_slice %arg3[%select_n3A, %dma_start3A_65] : memref<16x12288xf32, #tpu.memory_space<hbm>> -> memref<1x12288xf32, #tpu.memory_space<hbm>>
      %dma_start3A_67 = tpu.memref_squeeze %dma_start3A_66 : memref<1x12288xf32, #tpu.memory_space<hbm>> -> memref<12288xf32, #tpu.memory_space<hbm>>
      tpu.enqueue_dma source(%dma_start3A_67 : memref<12288xf32, #tpu.memory_space<hbm>>) target(%arg6 : memref<12288xf32, #tpu.memory_space<vmem>>) target_semaphore(%run_scoped3A : memref<!tpu.dma_semaphore, #tpu.memory_space<semaphore_mem>>)
      %dma_wait3A = arith.constant 0 : i32
      %dma_wait3A_68 = tpu.memref_slice %arg3[%select_n3A, %dma_wait3A] : memref<16x12288xf32, #tpu.memory_space<hbm>> -> memref<1x12288xf32, #tpu.memory_space<hbm>>
      %dma_wait3A_69 = tpu.memref_squeeze %dma_wait3A_68 : memref<1x12288xf32, #tpu.memory_space<hbm>> -> memref<12288xf32, #tpu.memory_space<hbm>>
      %dma_wait3A_70 = arith.constant 0 : i32
      %dma_wait3A_71 = tpu.memref_slice %arg3[%select_n3A, %dma_wait3A_70] : memref<16x12288xf32, #tpu.memory_space<hbm>> -> memref<1x12288xf32, #tpu.memory_space<hbm>>
      %dma_wait3A_72 = tpu.memref_squeeze %dma_wait3A_71 : memref<1x12288xf32, #tpu.memory_space<hbm>> -> memref<12288xf32, #tpu.memory_space<hbm>>
      tpu.wait_dma2 semaphore(%run_scoped3A : memref<!tpu.dma_semaphore, #tpu.memory_space<semaphore_mem>>) src(%dma_wait3A_72 : memref<12288xf32, #tpu.memory_space<hbm>>) dst(%arg6 : memref<12288xf32, #tpu.memory_space<vmem>>)
      tpu.yield
    }) : () -> ()
    "tpu.region"() ({
      %run_scoped3A = tpu.sem_alloc : memref<!tpu.dma_semaphore, #tpu.memory_space<semaphore_mem>>
      %dma_start3A = arith.constant 0 : i32
      %dma_start3A_63 = tpu.memref_slice %arg2[%select_n3A, %dma_start3A] : memref<16x12288xf32, #tpu.memory_space<hbm>> -> memref<1x12288xf32, #tpu.memory_space<hbm>>
      %dma_start3A_64 = tpu.memref_squeeze %dma_start3A_63 : memref<1x12288xf32, #tpu.memory_space<hbm>> -> memref<12288xf32, #tpu.memory_space<hbm>>
      %dma_start3A_65 = arith.constant 0 : i32
      %dma_start3A_66 = tpu.memref_slice %arg2[%select_n3A, %dma_start3A_65] : memref<16x12288xf32, #tpu.memory_space<hbm>> -> memref<1x12288xf32, #tpu.memory_space<hbm>>
      %dma_start3A_67 = tpu.memref_squeeze %dma_start3A_66 : memref<1x12288xf32, #tpu.memory_space<hbm>> -> memref<12288xf32, #tpu.memory_space<hbm>>
      tpu.enqueue_dma source(%dma_start3A_67 : memref<12288xf32, #tpu.memory_space<hbm>>) target(%arg7 : memref<12288xf32, #tpu.memory_space<vmem>>) target_semaphore(%run_scoped3A : memref<!tpu.dma_semaphore, #tpu.memory_space<semaphore_mem>>)
      %dma_wait3A = arith.constant 0 : i32
      %dma_wait3A_68 = tpu.memref_slice %arg2[%select_n3A, %dma_wait3A] : memref<16x12288xf32, #tpu.memory_space<hbm>> -> memref<1x12288xf32, #tpu.memory_space<hbm>>
      %dma_wait3A_69 = tpu.memref_squeeze %dma_wait3A_68 : memref<1x12288xf32, #tpu.memory_space<hbm>> -> memref<12288xf32, #tpu.memory_space<hbm>>
      %dma_wait3A_70 = arith.constant 0 : i32
      %dma_wait3A_71 = tpu.memref_slice %arg2[%select_n3A, %dma_wait3A_70] : memref<16x12288xf32, #tpu.memory_space<hbm>> -> memref<1x12288xf32, #tpu.memory_space<hbm>>
      %dma_wait3A_72 = tpu.memref_squeeze %dma_wait3A_71 : memref<1x12288xf32, #tpu.memory_space<hbm>> -> memref<12288xf32, #tpu.memory_space<hbm>>
      tpu.wait_dma2 semaphore(%run_scoped3A : memref<!tpu.dma_semaphore, #tpu.memory_space<semaphore_mem>>) src(%dma_wait3A_72 : memref<12288xf32, #tpu.memory_space<hbm>>) dst(%arg7 : memref<12288xf32, #tpu.memory_space<vmem>>)
      tpu.yield
    }) : () -> ()
    %iota3A = tpu.iota {dimensions = array<i32: 0>} : vector<16xi32>
    %broadcast_in_dim3A = arith.constant 0 : i32
    %broadcast_in_dim3A_31 = vector.broadcast %broadcast_in_dim3A : i32 to vector<16xi32>
    %broadcast_in_dim3A_32 = arith.constant 1 : i32
    %broadcast_in_dim3A_33 = vector.broadcast %broadcast_in_dim3A_32 : i32 to vector<16xi32>
    %broadcast_in_dim3A_34 = arith.constant 0x7F800000 : f32
    %broadcast_in_dim3A_35 = vector.broadcast %broadcast_in_dim3A_34 : f32 to vector<16xf32>
    %broadcast_in_dim3A_36 = arith.constant 15 : i32
    %broadcast_in_dim3A_37 = vector.broadcast %broadcast_in_dim3A_36 : i32 to vector<16xi32>
    %scan3A = arith.constant 0 : i32
    %scan3A_38 = arith.constant 0 : i32
    %scan3A_39 = arith.constant 256 : i32
    %scan3A_40 = arith.addi %scan3A_38, %scan3A_39 : i32
    %scan3A_41 = arith.constant 1 : i32
    %scan3A_42 = scf.for %scan3A_63 = %scan3A_38 to %scan3A_40 step %scan3A_41 iter_args(%scan3A_64 = %scan3A) -> (i32)  : i32 {
      %mul3A_65 = arith.constant 16 : i32
      %mul3A_66 = arith.muli %scan3A_63, %mul3A_65 : i32
      %get3A = arith.index_cast %mul3A_66 : i32 to index
      %get3A_67 = tpu.vector_load %arg6[%get3A] {strides = array<i32>} : memref<12288xf32, #tpu.memory_space<vmem>>, vector<16xf32>,
      %mul3A_68 = arith.constant 16 : i32
      %mul3A_69 = arith.muli %scan3A_63, %mul3A_68 : i32
      %add3A_70 = arith.constant 4096 : i32
      %add3A_71 = arith.addi %add3A_70, %mul3A_69 : i32
      %get3A_72 = arith.index_cast %add3A_71 : i32 to index
      %get3A_73 = tpu.vector_load %arg6[%get3A_72] {strides = array<i32>} : memref<12288xf32, #tpu.memory_space<vmem>>, vector<16xf32>,
      %mul3A_74 = arith.constant 16 : i32
      %mul3A_75 = arith.muli %scan3A_63, %mul3A_74 : i32
      %add3A_76 = arith.constant 8192 : i32
      %add3A_77 = arith.addi %add3A_76, %mul3A_75 : i32
      %get3A_78 = arith.index_cast %add3A_77 : i32 to index
      %get3A_79 = tpu.vector_load %arg6[%get3A_78] {strides = array<i32>} : memref<12288xf32, #tpu.memory_space<vmem>>, vector<16xf32>,
      %mul3A_80 = arith.mulf %get3A_67, %get3A_67 : vector<16xf32>
      %mul3A_81 = arith.mulf %get3A_73, %get3A_73 : vector<16xf32>
      %add3A_82 = arith.addf %mul3A_80, %mul3A_81 : vector<16xf32>
      %mul3A_83 = arith.mulf %get3A_79, %get3A_79 : vector<16xf32>
      %add3A_84 = arith.addf %add3A_82, %mul3A_83 : vector<16xf32>
      %mul3A_85 = arith.constant 16 : i32
      %mul3A_86 = arith.muli %scan3A_63, %mul3A_85 : i32
      %swap3A = arith.index_cast %mul3A_86 : i32 to index
      %swap3A_87 = tpu.vector_load %arg8[%swap3A] {strides = array<i32>} : memref<4096xf32, #tpu.memory_space<vmem>>, vector<16xf32>,
      tpu.vector_store %arg8[%swap3A], %add3A_84 {strides = array<i32>} : memref<4096xf32, #tpu.memory_space<vmem>>, vector<16xf32>,
      %bitcast3A = vector.bitcast %get3A_67 : vector<16xf32> to vector<16xi32>
      %shift_right_logical3A = arith.constant 16 : i32
      %shift_right_logical3A_88 = vector.broadcast %shift_right_logical3A : i32 to vector<16xi32>
      %shift_right_logical3A_89 = arith.shrui %bitcast3A, %shift_right_logical3A_88 : vector<16xi32>
      %and3A_90 = arith.constant 1 : i32
      %and3A_91 = vector.broadcast %and3A_90 : i32 to vector<16xi32>
      %and3A_92 = arith.andi %shift_right_logical3A_89, %and3A_91 : vector<16xi32>
      %add3A_93 = arith.constant 32767 : i32
      %add3A_94 = vector.broadcast %add3A_93 : i32 to vector<16xi32>
      %add3A_95 = arith.addi %bitcast3A, %add3A_94 : vector<16xi32>
      %add3A_96 = arith.addi %add3A_95, %and3A_92 : vector<16xi32>
      %and3A_97 = arith.constant -65536 : i32
      %and3A_98 = vector.broadcast %and3A_97 : i32 to vector<16xi32>
      %and3A_99 = arith.andi %add3A_96, %and3A_98 : vector<16xi32>
      %bitcast3A_100 = vector.bitcast %and3A_99 : vector<16xi32> to vector<16xf32>
      %mul3A_101 = arith.constant 16 : i32
      %mul3A_102 = arith.muli %scan3A_63, %mul3A_101 : i32
      %swap3A_103 = arith.index_cast %mul3A_102 : i32 to index
      %swap3A_104 = tpu.vector_load %arg6[%swap3A_103] {strides = array<i32>} : memref<12288xf32, #tpu.memory_space<vmem>>, vector<16xf32>,
      tpu.vector_store %arg6[%swap3A_103], %bitcast3A_100 {strides = array<i32>} : memref<12288xf32, #tpu.memory_space<vmem>>, vector<16xf32>,
      %bitcast3A_105 = vector.bitcast %get3A_73 : vector<16xf32> to vector<16xi32>
      %shift_right_logical3A_106 = arith.constant 16 : i32
      %shift_right_logical3A_107 = vector.broadcast %shift_right_logical3A_106 : i32 to vector<16xi32>
      %shift_right_logical3A_108 = arith.shrui %bitcast3A_105, %shift_right_logical3A_107 : vector<16xi32>
      %and3A_109 = arith.constant 1 : i32
      %and3A_110 = vector.broadcast %and3A_109 : i32 to vector<16xi32>
      %and3A_111 = arith.andi %shift_right_logical3A_108, %and3A_110 : vector<16xi32>
      %add3A_112 = arith.constant 32767 : i32
      %add3A_113 = vector.broadcast %add3A_112 : i32 to vector<16xi32>
      %add3A_114 = arith.addi %bitcast3A_105, %add3A_113 : vector<16xi32>
      %add3A_115 = arith.addi %add3A_114, %and3A_111 : vector<16xi32>
      %and3A_116 = arith.constant -65536 : i32
      %and3A_117 = vector.broadcast %and3A_116 : i32 to vector<16xi32>
      %and3A_118 = arith.andi %add3A_115, %and3A_117 : vector<16xi32>
      %bitcast3A_119 = vector.bitcast %and3A_118 : vector<16xi32> to vector<16xf32>
      %mul3A_120 = arith.constant 16 : i32
      %mul3A_121 = arith.muli %scan3A_63, %mul3A_120 : i32
      %add3A_122 = arith.constant 4096 : i32
      %add3A_123 = arith.addi %add3A_122, %mul3A_121 : i32
      %swap3A_124 = arith.index_cast %add3A_123 : i32 to index
      %swap3A_125 = tpu.vector_load %arg6[%swap3A_124] {strides = array<i32>} : memref<12288xf32, #tpu.memory_space<vmem>>, vector<16xf32>,
      tpu.vector_store %arg6[%swap3A_124], %bitcast3A_119 {strides = array<i32>} : memref<12288xf32, #tpu.memory_space<vmem>>, vector<16xf32>,
      %bitcast3A_126 = vector.bitcast %get3A_79 : vector<16xf32> to vector<16xi32>
      %shift_right_logical3A_127 = arith.constant 16 : i32
      %shift_right_logical3A_128 = vector.broadcast %shift_right_logical3A_127 : i32 to vector<16xi32>
      %shift_right_logical3A_129 = arith.shrui %bitcast3A_126, %shift_right_logical3A_128 : vector<16xi32>
      %and3A_130 = arith.constant 1 : i32
      %and3A_131 = vector.broadcast %and3A_130 : i32 to vector<16xi32>
      %and3A_132 = arith.andi %shift_right_logical3A_129, %and3A_131 : vector<16xi32>
      %add3A_133 = arith.constant 32767 : i32
      %add3A_134 = vector.broadcast %add3A_133 : i32 to vector<16xi32>
      %add3A_135 = arith.addi %bitcast3A_126, %add3A_134 : vector<16xi32>
      %add3A_136 = arith.addi %add3A_135, %and3A_132 : vector<16xi32>
      %and3A_137 = arith.constant -65536 : i32
      %and3A_138 = vector.broadcast %and3A_137 : i32 to vector<16xi32>
      %and3A_139 = arith.andi %add3A_136, %and3A_138 : vector<16xi32>
      %bitcast3A_140 = vector.bitcast %and3A_139 : vector<16xi32> to vector<16xf32>
      %mul3A_141 = arith.constant 16 : i32
      %mul3A_142 = arith.muli %scan3A_63, %mul3A_141 : i32
      %add3A_143 = arith.constant 8192 : i32
      %add3A_144 = arith.addi %add3A_143, %mul3A_142 : i32
      %swap3A_145 = arith.index_cast %add3A_144 : i32 to index
      %swap3A_146 = tpu.vector_load %arg6[%swap3A_145] {strides = array<i32>} : memref<12288xf32, #tpu.memory_space<vmem>>, vector<16xf32>,
      tpu.vector_store %arg6[%swap3A_145], %bitcast3A_140 {strides = array<i32>} : memref<12288xf32, #tpu.memory_space<vmem>>, vector<16xf32>,
      %scan3A_147 = arith.constant 0 : i32
      scf.yield %scan3A_147 : i32
    }
    %scan3A_43 = arith.constant 256 : i32
    %mul3A_44 = arith.constant 256 : i32
    %mul3A_45 = vector.broadcast %mul3A_44 : i32 to vector<16xi32>
    %mul3A_46 = arith.muli %iota3A, %mul3A_45 : vector<16xi32>
    %scan3A_47 = arith.constant 0x7F800000 : f32
    %scan3A_48 = arith.constant 0 : i32
    %scan3A_49 = arith.constant 0 : i32
    %scan3A_50 = arith.constant 1024 : i32
    %scan3A_51 = arith.addi %scan3A_49, %scan3A_50 : i32
    %scan3A_52 = arith.constant 1 : i32
    %scan3A_53 = scf.for %scan3A_63 = %scan3A_49 to %scan3A_51 step %scan3A_52 iter_args(%scan3A_64 = %scan3A_48) -> (i32)  : i32 {
      %mul3A_65 = arith.constant 2 : i32
      %mul3A_66 = arith.muli %mul3A_65, %scan3A_63 : i32
      %mul3A_67 = arith.constant 2048 : i32
      %mul3A_68 = arith.muli %select_n3A_30, %mul3A_67 : i32
      %jit3A_69 = arith.constant 16 : i32
      %div3A_70 = arith.divsi %mul3A_66, %jit3A_69 : i32
      %sign3A_71 = arith.constant 0 : i32
      %sign3A_72 = arith.cmpi sgt, %mul3A_66, %sign3A_71 : i32
      %sign3A_73 = arith.extui %sign3A_72 : i1 to i32
      %sign3A_74 = arith.constant 0 : i32
      %sign3A_75 = arith.cmpi slt, %mul3A_66, %sign3A_74 : i32
      %sign3A_76 = arith.extui %sign3A_75 : i1 to i32
      %sign3A_77 = arith.subi %sign3A_73, %sign3A_76 : i32
      %sign3A_78 = arith.constant 0 : i32
      %sign3A_79 = arith.cmpi sgt, %jit3A_69, %sign3A_78 : i32
      %sign3A_80 = arith.extui %sign3A_79 : i1 to i32
      %sign3A_81 = arith.constant 0 : i32
      %sign3A_82 = arith.cmpi slt, %jit3A_69, %sign3A_81 : i32
      %sign3A_83 = arith.extui %sign3A_82 : i1 to i32
      %sign3A_84 = arith.subi %sign3A_80, %sign3A_83 : i32
      %ne3A_85 = arith.cmpi ne, %sign3A_77, %sign3A_84 : i32
      %rem3A_86 = arith.remsi %mul3A_66, %jit3A_69 : i32
      %ne3A_87 = arith.constant 0 : i32
      %ne3A_88 = arith.cmpi ne, %rem3A_86, %ne3A_87 : i32
      %and3A_89 = arith.andi %ne3A_85, %ne3A_88 : i1
      %sub3A_90 = arith.constant 1 : i32
      %sub3A_91 = arith.subi %div3A_70, %sub3A_90 : i32
      %select_n3A_92 = arith.select %and3A_89, %sub3A_91, %div3A_70 : i32
      %mul3A_93 = arith.constant 16 : i32
      %mul3A_94 = arith.muli %select_n3A_92, %mul3A_93 : i32
      %add3A_95 = arith.addi %mul3A_68, %mul3A_94 : i32
      %jit3A_96 = arith.constant 16 : i32
      %eq3A_97 = arith.constant 0 : i32
      %eq3A_98 = arith.cmpi eq, %jit3A_96, %eq3A_97 : i32
      %jit3A_99 = arith.constant 1 : i32
      %select_n3A_100 = arith.select %eq3A_98, %jit3A_99, %jit3A_96 : i32
      %rem3A_101 = arith.remsi %mul3A_66, %select_n3A_100 : i32
      %ne3A_102 = arith.constant 0 : i32
      %ne3A_103 = arith.cmpi ne, %rem3A_101, %ne3A_102 : i32
      %lt3A_104 = arith.constant 0 : i32
      %lt3A_105 = arith.cmpi slt, %rem3A_101, %lt3A_104 : i32
      %lt3A_106 = arith.constant 0 : i32
      %lt3A_107 = arith.cmpi slt, %select_n3A_100, %lt3A_106 : i32
      %ne3A_108 = arith.xori %lt3A_105, %lt3A_107 : i1
      %and3A_109 = arith.andi %ne3A_108, %ne3A_103 : i1
      %add3A_110 = arith.addi %rem3A_101, %select_n3A_100 : i32
      %select_n3A_111 = arith.select %and3A_109, %add3A_110, %rem3A_101 : i32
      %get3A = arith.index_cast %add3A_95 : i32 to index
      %get3A_112 = tpu.vector_load %arg7[%get3A] {strides = array<i32>} : memref<12288xf32, #tpu.memory_space<vmem>>, vector<16xf32>,
      %add3A_113 = arith.constant 4096 : i32
      %add3A_114 = arith.addi %add3A_113, %add3A_95 : i32
      %get3A_115 = arith.index_cast %add3A_114 : i32 to index
      %get3A_116 = tpu.vector_load %arg7[%get3A_115] {strides = array<i32>} : memref<12288xf32, #tpu.memory_space<vmem>>, vector<16xf32>,
      %add3A_117 = arith.constant 8192 : i32
      %add3A_118 = arith.addi %add3A_117, %add3A_95 : i32
      %get3A_119 = arith.index_cast %add3A_118 : i32 to index
      %get3A_120 = tpu.vector_load %arg7[%get3A_119] {strides = array<i32>} : memref<12288xf32, #tpu.memory_space<vmem>>, vector<16xf32>,
      %add3A_121 = arith.constant 0 : i32
      %add3A_122 = arith.addi %select_n3A_111, %add3A_121 : i32
      %broadcast_in_dim3A_123 = vector.broadcast %add3A_122 : i32 to vector<16xi32>
      %broadcast_in_dim3A_124 = vector.shape_cast %broadcast_in_dim3A_123 : vector<16xi32> to vector<16x1xi32>
      %gather3A = vector.shape_cast %broadcast_in_dim3A_124 : vector<16x1xi32> to vector<16xi32>
      %gather3A_125 = tpu.dynamic_gather %get3A_112[%gather3A] in [0] : vector<16xf32>, vector<16xi32> -> vector<16xf32>
      %add3A_126 = arith.constant 0 : i32
      %add3A_127 = arith.addi %select_n3A_111, %add3A_126 : i32
      %broadcast_in_dim3A_128 = vector.broadcast %add3A_127 : i32 to vector<16xi32>
      %broadcast_in_dim3A_129 = vector.shape_cast %broadcast_in_dim3A_128 : vector<16xi32> to vector<16x1xi32>
      %gather3A_130 = vector.shape_cast %broadcast_in_dim3A_129 : vector<16x1xi32> to vector<16xi32>
      %gather3A_131 = tpu.dynamic_gather %get3A_116[%gather3A_130] in [0] : vector<16xf32>, vector<16xi32> -> vector<16xf32>
      %add3A_132 = arith.constant 0 : i32
      %add3A_133 = arith.addi %select_n3A_111, %add3A_132 : i32
      %broadcast_in_dim3A_134 = vector.broadcast %add3A_133 : i32 to vector<16xi32>
      %broadcast_in_dim3A_135 = vector.shape_cast %broadcast_in_dim3A_134 : vector<16xi32> to vector<16x1xi32>
      %gather3A_136 = vector.shape_cast %broadcast_in_dim3A_135 : vector<16x1xi32> to vector<16xi32>
      %gather3A_137 = tpu.dynamic_gather %get3A_120[%gather3A_136] in [0] : vector<16xf32>, vector<16xi32> -> vector<16xf32>
      %mul3A_138 = arith.mulf %gather3A_125, %gather3A_125 : vector<16xf32>
      %mul3A_139 = arith.mulf %gather3A_131, %gather3A_131 : vector<16xf32>
      %add3A_140 = arith.addf %mul3A_138, %mul3A_139 : vector<16xf32>
      %mul3A_141 = arith.mulf %gather3A_137, %gather3A_137 : vector<16xf32>
      %add3A_142 = arith.addf %add3A_140, %mul3A_141 : vector<16xf32>
      %bitcast3A = vector.bitcast %gather3A_125 : vector<16xf32> to vector<16xi32>
      %shift_right_logical3A = arith.constant 16 : i32
      %shift_right_logical3A_143 = vector.broadcast %shift_right_logical3A : i32 to vector<16xi32>
      %shift_right_logical3A_144 = arith.shrui %bitcast3A, %shift_right_logical3A_143 : vector<16xi32>
      %and3A_145 = arith.constant 1 : i32
      %and3A_146 = vector.broadcast %and3A_145 : i32 to vector<16xi32>
      %and3A_147 = arith.andi %shift_right_logical3A_144, %and3A_146 : vector<16xi32>
      %add3A_148 = arith.constant 32767 : i32
      %add3A_149 = vector.broadcast %add3A_148 : i32 to vector<16xi32>
      %add3A_150 = arith.addi %bitcast3A, %add3A_149 : vector<16xi32>
      %add3A_151 = arith.addi %add3A_150, %and3A_147 : vector<16xi32>
      %and3A_152 = arith.constant -65536 : i32
      %and3A_153 = vector.broadcast %and3A_152 : i32 to vector<16xi32>
      %and3A_154 = arith.andi %add3A_151, %and3A_153 : vector<16xi32>
      %bitcast3A_155 = vector.bitcast %and3A_154 : vector<16xi32> to vector<16xf32>
      %mul3A_156 = arith.constant -2.000000e+00 : f32
      %mul3A_157 = vector.broadcast %mul3A_156 : f32 to vector<16xf32>
      %mul3A_158 = arith.mulf %mul3A_157, %bitcast3A_155 : vector<16xf32>
      %bitcast3A_159 = vector.bitcast %gather3A_131 : vector<16xf32> to vector<16xi32>
      %shift_right_logical3A_160 = arith.constant 16 : i32
      %shift_right_logical3A_161 = vector.broadcast %shift_right_logical3A_160 : i32 to vector<16xi32>
      %shift_right_logical3A_162 = arith.shrui %bitcast3A_159, %shift_right_logical3A_161 : vector<16xi32>
      %and3A_163 = arith.constant 1 : i32
      %and3A_164 = vector.broadcast %and3A_163 : i32 to vector<16xi32>
      %and3A_165 = arith.andi %shift_right_logical3A_162, %and3A_164 : vector<16xi32>
      %add3A_166 = arith.constant 32767 : i32
      %add3A_167 = vector.broadcast %add3A_166 : i32 to vector<16xi32>
      %add3A_168 = arith.addi %bitcast3A_159, %add3A_167 : vector<16xi32>
      %add3A_169 = arith.addi %add3A_168, %and3A_165 : vector<16xi32>
      %and3A_170 = arith.constant -65536 : i32
      %and3A_171 = vector.broadcast %and3A_170 : i32 to vector<16xi32>
      %and3A_172 = arith.andi %add3A_169, %and3A_171 : vector<16xi32>
      %bitcast3A_173 = vector.bitcast %and3A_172 : vector<16xi32> to vector<16xf32>
      %mul3A_174 = arith.constant -2.000000e+00 : f32
      %mul3A_175 = vector.broadcast %mul3A_174 : f32 to vector<16xf32>
      %mul3A_176 = arith.mulf %mul3A_175, %bitcast3A_173 : vector<16xf32>
      %bitcast3A_177 = vector.bitcast %gather3A_137 : vector<16xf32> to vector<16xi32>
      %shift_right_logical3A_178 = arith.constant 16 : i32
      %shift_right_logical3A_179 = vector.broadcast %shift_right_logical3A_178 : i32 to vector<16xi32>
      %shift_right_logical3A_180 = arith.shrui %bitcast3A_177, %shift_right_logical3A_179 : vector<16xi32>
      %and3A_181 = arith.constant 1 : i32
      %and3A_182 = vector.broadcast %and3A_181 : i32 to vector<16xi32>
      %and3A_183 = arith.andi %shift_right_logical3A_180, %and3A_182 : vector<16xi32>
      %add3A_184 = arith.constant 32767 : i32
      %add3A_185 = vector.broadcast %add3A_184 : i32 to vector<16xi32>
      %add3A_186 = arith.addi %bitcast3A_177, %add3A_185 : vector<16xi32>
      %add3A_187 = arith.addi %add3A_186, %and3A_183 : vector<16xi32>
      %and3A_188 = arith.constant -65536 : i32
      %and3A_189 = vector.broadcast %and3A_188 : i32 to vector<16xi32>
      %and3A_190 = arith.andi %add3A_187, %and3A_189 : vector<16xi32>
      %bitcast3A_191 = vector.bitcast %and3A_190 : vector<16xi32> to vector<16xf32>
      %mul3A_192 = arith.constant -2.000000e+00 : f32
      %mul3A_193 = vector.broadcast %mul3A_192 : f32 to vector<16xf32>
      %mul3A_194 = arith.mulf %mul3A_193, %bitcast3A_191 : vector<16xf32>
      %add3A_195 = arith.constant 1 : i32
      %add3A_196 = arith.addi %select_n3A_111, %add3A_195 : i32
      %broadcast_in_dim3A_197 = vector.broadcast %add3A_196 : i32 to vector<16xi32>
      %broadcast_in_dim3A_198 = vector.shape_cast %broadcast_in_dim3A_197 : vector<16xi32> to vector<16x1xi32>
      %gather3A_199 = vector.shape_cast %broadcast_in_dim3A_198 : vector<16x1xi32> to vector<16xi32>
      %gather3A_200 = tpu.dynamic_gather %get3A_112[%gather3A_199] in [0] : vector<16xf32>, vector<16xi32> -> vector<16xf32>
      %add3A_201 = arith.constant 1 : i32
      %add3A_202 = arith.addi %select_n3A_111, %add3A_201 : i32
      %broadcast_in_dim3A_203 = vector.broadcast %add3A_202 : i32 to vector<16xi32>
      %broadcast_in_dim3A_204 = vector.shape_cast %broadcast_in_dim3A_203 : vector<16xi32> to vector<16x1xi32>
      %gather3A_205 = vector.shape_cast %broadcast_in_dim3A_204 : vector<16x1xi32> to vector<16xi32>
      %gather3A_206 = tpu.dynamic_gather %get3A_116[%gather3A_205] in [0] : vector<16xf32>, vector<16xi32> -> vector<16xf32>
      %add3A_207 = arith.constant 1 : i32
      %add3A_208 = arith.addi %select_n3A_111, %add3A_207 : i32
      %broadcast_in_dim3A_209 = vector.broadcast %add3A_208 : i32 to vector<16xi32>
      %broadcast_in_dim3A_210 = vector.shape_cast %broadcast_in_dim3A_209 : vector<16xi32> to vector<16x1xi32>
      %gather3A_211 = vector.shape_cast %broadcast_in_dim3A_210 : vector<16x1xi32> to vector<16xi32>
      %gather3A_212 = tpu.dynamic_gather %get3A_120[%gather3A_211] in [0] : vector<16xf32>, vector<16xi32> -> vector<16xf32>
      %mul3A_213 = arith.mulf %gather3A_200, %gather3A_200 : vector<16xf32>
      %mul3A_214 = arith.mulf %gather3A_206, %gather3A_206 : vector<16xf32>
      %add3A_215 = arith.addf %mul3A_213, %mul3A_214 : vector<16xf32>
      %mul3A_216 = arith.mulf %gather3A_212, %gather3A_212 : vector<16xf32>
      %add3A_217 = arith.addf %add3A_215, %mul3A_216 : vector<16xf32>
      %bitcast3A_218 = vector.bitcast %gather3A_200 : vector<16xf32> to vector<16xi32>
      %shift_right_logical3A_219 = arith.constant 16 : i32
      %shift_right_logical3A_220 = vector.broadcast %shift_right_logical3A_219 : i32 to vector<16xi32>
      %shift_right_logical3A_221 = arith.shrui %bitcast3A_218, %shift_right_logical3A_220 : vector<16xi32>
      %and3A_222 = arith.constant 1 : i32
      %and3A_223 = vector.broadcast %and3A_222 : i32 to vector<16xi32>
      %and3A_224 = arith.andi %shift_right_logical3A_221, %and3A_223 : vector<16xi32>
      %add3A_225 = arith.constant 32767 : i32
      %add3A_226 = vector.broadcast %add3A_225 : i32 to vector<16xi32>
      %add3A_227 = arith.addi %bitcast3A_218, %add3A_226 : vector<16xi32>
      %add3A_228 = arith.addi %add3A_227, %and3A_224 : vector<16xi32>
      %and3A_229 = arith.constant -65536 : i32
      %and3A_230 = vector.broadcast %and3A_229 : i32 to vector<16xi32>
      %and3A_231 = arith.andi %add3A_228, %and3A_230 : vector<16xi32>
      %bitcast3A_232 = vector.bitcast %and3A_231 : vector<16xi32> to vector<16xf32>
      %mul3A_233 = arith.constant -2.000000e+00 : f32
      %mul3A_234 = vector.broadcast %mul3A_233 : f32 to vector<16xf32>
      %mul3A_235 = arith.mulf %mul3A_234, %bitcast3A_232 : vector<16xf32>
      %bitcast3A_236 = vector.bitcast %gather3A_206 : vector<16xf32> to vector<16xi32>
      %shift_right_logical3A_237 = arith.constant 16 : i32
      %shift_right_logical3A_238 = vector.broadcast %shift_right_logical3A_237 : i32 to vector<16xi32>
      %shift_right_logical3A_239 = arith.shrui %bitcast3A_236, %shift_right_logical3A_238 : vector<16xi32>
      %and3A_240 = arith.constant 1 : i32
      %and3A_241 = vector.broadcast %and3A_240 : i32 to vector<16xi32>
      %and3A_242 = arith.andi %shift_right_logical3A_239, %and3A_241 : vector<16xi32>
      %add3A_243 = arith.constant 32767 : i32
      %add3A_244 = vector.broadcast %add3A_243 : i32 to vector<16xi32>
      %add3A_245 = arith.addi %bitcast3A_236, %add3A_244 : vector<16xi32>
      %add3A_246 = arith.addi %add3A_245, %and3A_242 : vector<16xi32>
      %and3A_247 = arith.constant -65536 : i32
      %and3A_248 = vector.broadcast %and3A_247 : i32 to vector<16xi32>
      %and3A_249 = arith.andi %add3A_246, %and3A_248 : vector<16xi32>
      %bitcast3A_250 = vector.bitcast %and3A_249 : vector<16xi32> to vector<16xf32>
      %mul3A_251 = arith.constant -2.000000e+00 : f32
      %mul3A_252 = vector.broadcast %mul3A_251 : f32 to vector<16xf32>
      %mul3A_253 = arith.mulf %mul3A_252, %bitcast3A_250 : vector<16xf32>
      %bitcast3A_254 = vector.bitcast %gather3A_212 : vector<16xf32> to vector<16xi32>
      %shift_right_logical3A_255 = arith.constant 16 : i32
      %shift_right_logical3A_256 = vector.broadcast %shift_right_logical3A_255 : i32 to vector<16xi32>
      %shift_right_logical3A_257 = arith.shrui %bitcast3A_254, %shift_right_logical3A_256 : vector<16xi32>
      %and3A_258 = arith.constant 1 : i32
      %and3A_259 = vector.broadcast %and3A_258 : i32 to vector<16xi32>
      %and3A_260 = arith.andi %shift_right_logical3A_257, %and3A_259 : vector<16xi32>
      %add3A_261 = arith.constant 32767 : i32
      %add3A_262 = vector.broadcast %add3A_261 : i32 to vector<16xi32>
      %add3A_263 = arith.addi %bitcast3A_254, %add3A_262 : vector<16xi32>
      %add3A_264 = arith.addi %add3A_263, %and3A_260 : vector<16xi32>
      %and3A_265 = arith.constant -65536 : i32
      %and3A_266 = vector.broadcast %and3A_265 : i32 to vector<16xi32>
      %and3A_267 = arith.andi %add3A_264, %and3A_266 : vector<16xi32>
      %bitcast3A_268 = vector.bitcast %and3A_267 : vector<16xi32> to vector<16xf32>
      %mul3A_269 = arith.constant -2.000000e+00 : f32
      %mul3A_270 = vector.broadcast %mul3A_269 : f32 to vector<16xf32>
      %mul3A_271 = arith.mulf %mul3A_270, %bitcast3A_268 : vector<16xf32>
      %scan3A_272 = arith.constant 0 : i32
      %scan3A_273 = arith.constant 32 : i32
      %scan3A_274 = arith.addi %scan3A_272, %scan3A_273 : i32
      %scan3A_275 = arith.constant 1 : i32
      %scan3A_276:2 = scf.for %scan3A_352 = %scan3A_272 to %scan3A_274 step %scan3A_275 iter_args(%scan3A_353 = %broadcast_in_dim3A_35, %scan3A_354 = %broadcast_in_dim3A_35) -> (vector<16xf32>, vector<16xf32>)  : i32 {
        %mul3A_355 = arith.constant 8 : i32
        %mul3A_356 = arith.muli %mul3A_355, %scan3A_352 : i32
        %add3A_357 = arith.constant 0 : i32
        %add3A_358 = arith.addi %mul3A_356, %add3A_357 : i32
        %mul3A_359 = arith.constant 16 : i32
        %mul3A_360 = arith.muli %add3A_358, %mul3A_359 : i32
        %get3A_361 = arith.index_cast %mul3A_360 : i32 to index
        %get3A_362 = tpu.vector_load %arg6[%get3A_361] {strides = array<i32>} : memref<12288xf32, #tpu.memory_space<vmem>>, vector<16xf32>,
        %mul3A_363 = arith.constant 16 : i32
        %mul3A_364 = arith.muli %add3A_358, %mul3A_363 : i32
        %add3A_365 = arith.constant 4096 : i32
        %add3A_366 = arith.addi %add3A_365, %mul3A_364 : i32
        %get3A_367 = arith.index_cast %add3A_366 : i32 to index
        %get3A_368 = tpu.vector_load %arg6[%get3A_367] {strides = array<i32>} : memref<12288xf32, #tpu.memory_space<vmem>>, vector<16xf32>,
        %mul3A_369 = arith.constant 16 : i32
        %mul3A_370 = arith.muli %add3A_358, %mul3A_369 : i32
        %add3A_371 = arith.constant 8192 : i32
        %add3A_372 = arith.addi %add3A_371, %mul3A_370 : i32
        %get3A_373 = arith.index_cast %add3A_372 : i32 to index
        %get3A_374 = tpu.vector_load %arg6[%get3A_373] {strides = array<i32>} : memref<12288xf32, #tpu.memory_space<vmem>>, vector<16xf32>,
        %mul3A_375 = arith.constant 16 : i32
        %mul3A_376 = arith.muli %add3A_358, %mul3A_375 : i32
        %get3A_377 = arith.index_cast %mul3A_376 : i32 to index
        %get3A_378 = tpu.vector_load %arg8[%get3A_377] {strides = array<i32>} : memref<4096xf32, #tpu.memory_space<vmem>>, vector<16xf32>,
        %mul3A_379 = arith.constant 8 : i32
        %mul3A_380 = arith.muli %mul3A_379, %scan3A_352 : i32
        %add3A_381 = arith.constant 1 : i32
        %add3A_382 = arith.addi %mul3A_380, %add3A_381 : i32
        %mul3A_383 = arith.constant 16 : i32
        %mul3A_384 = arith.muli %add3A_382, %mul3A_383 : i32
        %get3A_385 = arith.index_cast %mul3A_384 : i32 to index
        %get3A_386 = tpu.vector_load %arg6[%get3A_385] {strides = array<i32>} : memref<12288xf32, #tpu.memory_space<vmem>>, vector<16xf32>,
        %mul3A_387 = arith.constant 16 : i32
        %mul3A_388 = arith.muli %add3A_382, %mul3A_387 : i32
        %add3A_389 = arith.constant 4096 : i32
        %add3A_390 = arith.addi %add3A_389, %mul3A_388 : i32
        %get3A_391 = arith.index_cast %add3A_390 : i32 to index
        %get3A_392 = tpu.vector_load %arg6[%get3A_391] {strides = array<i32>} : memref<12288xf32, #tpu.memory_space<vmem>>, vector<16xf32>,
        %mul3A_393 = arith.constant 16 : i32
        %mul3A_394 = arith.muli %add3A_382, %mul3A_393 : i32
        %add3A_395 = arith.constant 8192 : i32
        %add3A_396 = arith.addi %add3A_395, %mul3A_394 : i32
        %get3A_397 = arith.index_cast %add3A_396 : i32 to index
        %get3A_398 = tpu.vector_load %arg6[%get3A_397] {strides = array<i32>} : memref<12288xf32, #tpu.memory_space<vmem>>, vector<16xf32>,
        %mul3A_399 = arith.constant 16 : i32
        %mul3A_400 = arith.muli %add3A_382, %mul3A_399 : i32
        %get3A_401 = arith.index_cast %mul3A_400 : i32 to index
        %get3A_402 = tpu.vector_load %arg8[%get3A_401] {strides = array<i32>} : memref<4096xf32, #tpu.memory_space<vmem>>, vector<16xf32>,
        %mul3A_403 = arith.constant 8 : i32
        %mul3A_404 = arith.muli %mul3A_403, %scan3A_352 : i32
        %add3A_405 = arith.constant 2 : i32
        %add3A_406 = arith.addi %mul3A_404, %add3A_405 : i32
        %mul3A_407 = arith.constant 16 : i32
        %mul3A_408 = arith.muli %add3A_406, %mul3A_407 : i32
        %get3A_409 = arith.index_cast %mul3A_408 : i32 to index
        %get3A_410 = tpu.vector_load %arg6[%get3A_409] {strides = array<i32>} : memref<12288xf32, #tpu.memory_space<vmem>>, vector<16xf32>,
        %mul3A_411 = arith.constant 16 : i32
        %mul3A_412 = arith.muli %add3A_406, %mul3A_411 : i32
        %add3A_413 = arith.constant 4096 : i32
        %add3A_414 = arith.addi %add3A_413, %mul3A_412 : i32
        %get3A_415 = arith.index_cast %add3A_414 : i32 to index
        %get3A_416 = tpu.vector_load %arg6[%get3A_415] {strides = array<i32>} : memref<12288xf32, #tpu.memory_space<vmem>>, vector<16xf32>,
        %mul3A_417 = arith.constant 16 : i32
        %mul3A_418 = arith.muli %add3A_406, %mul3A_417 : i32
        %add3A_419 = arith.constant 8192 : i32
        %add3A_420 = arith.addi %add3A_419, %mul3A_418 : i32
        %get3A_421 = arith.index_cast %add3A_420 : i32 to index
        %get3A_422 = tpu.vector_load %arg6[%get3A_421] {strides = array<i32>} : memref<12288xf32, #tpu.memory_space<vmem>>, vector<16xf32>,
        %mul3A_423 = arith.constant 16 : i32
        %mul3A_424 = arith.muli %add3A_406, %mul3A_423 : i32
        %get3A_425 = arith.index_cast %mul3A_424 : i32 to index
        %get3A_426 = tpu.vector_load %arg8[%get3A_425] {strides = array<i32>} : memref<4096xf32, #tpu.memory_space<vmem>>, vector<16xf32>,
        %mul3A_427 = arith.constant 8 : i32
        %mul3A_428 = arith.muli %mul3A_427, %scan3A_352 : i32
        %add3A_429 = arith.constant 3 : i32
        %add3A_430 = arith.addi %mul3A_428, %add3A_429 : i32
        %mul3A_431 = arith.constant 16 : i32
        %mul3A_432 = arith.muli %add3A_430, %mul3A_431 : i32
        %get3A_433 = arith.index_cast %mul3A_432 : i32 to index
        %get3A_434 = tpu.vector_load %arg6[%get3A_433] {strides = array<i32>} : memref<12288xf32, #tpu.memory_space<vmem>>, vector<16xf32>,
        %mul3A_435 = arith.constant 16 : i32
        %mul3A_436 = arith.muli %add3A_430, %mul3A_435 : i32
        %add3A_437 = arith.constant 4096 : i32
        %add3A_438 = arith.addi %add3A_437, %mul3A_436 : i32
        %get3A_439 = arith.index_cast %add3A_438 : i32 to index
        %get3A_440 = tpu.vector_load %arg6[%get3A_439] {strides = array<i32>} : memref<12288xf32, #tpu.memory_space<vmem>>, vector<16xf32>,
        %mul3A_441 = arith.constant 16 : i32
        %mul3A_442 = arith.muli %add3A_430, %mul3A_441 : i32
        %add3A_443 = arith.constant 8192 : i32
        %add3A_444 = arith.addi %add3A_443, %mul3A_442 : i32
        %get3A_445 = arith.index_cast %add3A_444 : i32 to index
        %get3A_446 = tpu.vector_load %arg6[%get3A_445] {strides = array<i32>} : memref<12288xf32, #tpu.memory_space<vmem>>, vector<16xf32>,
        %mul3A_447 = arith.constant 16 : i32
        %mul3A_448 = arith.muli %add3A_430, %mul3A_447 : i32
        %get3A_449 = arith.index_cast %mul3A_448 : i32 to index
        %get3A_450 = tpu.vector_load %arg8[%get3A_449] {strides = array<i32>} : memref<4096xf32, #tpu.memory_space<vmem>>, vector<16xf32>,
        %mul3A_451 = arith.constant 8 : i32
        %mul3A_452 = arith.muli %mul3A_451, %scan3A_352 : i32
        %add3A_453 = arith.constant 4 : i32
        %add3A_454 = arith.addi %mul3A_452, %add3A_453 : i32
        %mul3A_455 = arith.constant 16 : i32
        %mul3A_456 = arith.muli %add3A_454, %mul3A_455 : i32
        %get3A_457 = arith.index_cast %mul3A_456 : i32 to index
        %get3A_458 = tpu.vector_load %arg6[%get3A_457] {strides = array<i32>} : memref<12288xf32, #tpu.memory_space<vmem>>, vector<16xf32>,
        %mul3A_459 = arith.constant 16 : i32
        %mul3A_460 = arith.muli %add3A_454, %mul3A_459 : i32
        %add3A_461 = arith.constant 4096 : i32
        %add3A_462 = arith.addi %add3A_461, %mul3A_460 : i32
        %get3A_463 = arith.index_cast %add3A_462 : i32 to index
        %get3A_464 = tpu.vector_load %arg6[%get3A_463] {strides = array<i32>} : memref<12288xf32, #tpu.memory_space<vmem>>, vector<16xf32>,
        %mul3A_465 = arith.constant 16 : i32
        %mul3A_466 = arith.muli %add3A_454, %mul3A_465 : i32
        %add3A_467 = arith.constant 8192 : i32
        %add3A_468 = arith.addi %add3A_467, %mul3A_466 : i32
        %get3A_469 = arith.index_cast %add3A_468 : i32 to index
        %get3A_470 = tpu.vector_load %arg6[%get3A_469] {strides = array<i32>} : memref<12288xf32, #tpu.memory_space<vmem>>, vector<16xf32>,
        %mul3A_471 = arith.constant 16 : i32
        %mul3A_472 = arith.muli %add3A_454, %mul3A_471 : i32
        %get3A_473 = arith.index_cast %mul3A_472 : i32 to index
        %get3A_474 = tpu.vector_load %arg8[%get3A_473] {strides = array<i32>} : memref<4096xf32, #tpu.memory_space<vmem>>, vector<16xf32>,
        %mul3A_475 = arith.constant 8 : i32
        %mul3A_476 = arith.muli %mul3A_475, %scan3A_352 : i32
        %add3A_477 = arith.constant 5 : i32
        %add3A_478 = arith.addi %mul3A_476, %add3A_477 : i32
        %mul3A_479 = arith.constant 16 : i32
        %mul3A_480 = arith.muli %add3A_478, %mul3A_479 : i32
        %get3A_481 = arith.index_cast %mul3A_480 : i32 to index
        %get3A_482 = tpu.vector_load %arg6[%get3A_481] {strides = array<i32>} : memref<12288xf32, #tpu.memory_space<vmem>>, vector<16xf32>,
        %mul3A_483 = arith.constant 16 : i32
        %mul3A_484 = arith.muli %add3A_478, %mul3A_483 : i32
        %add3A_485 = arith.constant 4096 : i32
        %add3A_486 = arith.addi %add3A_485, %mul3A_484 : i32
        %get3A_487 = arith.index_cast %add3A_486 : i32 to index
        %get3A_488 = tpu.vector_load %arg6[%get3A_487] {strides = array<i32>} : memref<12288xf32, #tpu.memory_space<vmem>>, vector<16xf32>,
        %mul3A_489 = arith.constant 16 : i32
        %mul3A_490 = arith.muli %add3A_478, %mul3A_489 : i32
        %add3A_491 = arith.constant 8192 : i32
        %add3A_492 = arith.addi %add3A_491, %mul3A_490 : i32
        %get3A_493 = arith.index_cast %add3A_492 : i32 to index
        %get3A_494 = tpu.vector_load %arg6[%get3A_493] {strides = array<i32>} : memref<12288xf32, #tpu.memory_space<vmem>>, vector<16xf32>,
        %mul3A_495 = arith.constant 16 : i32
        %mul3A_496 = arith.muli %add3A_478, %mul3A_495 : i32
        %get3A_497 = arith.index_cast %mul3A_496 : i32 to index
        %get3A_498 = tpu.vector_load %arg8[%get3A_497] {strides = array<i32>} : memref<4096xf32, #tpu.memory_space<vmem>>, vector<16xf32>,
        %mul3A_499 = arith.constant 8 : i32
        %mul3A_500 = arith.muli %mul3A_499, %scan3A_352 : i32
        %add3A_501 = arith.constant 6 : i32
        %add3A_502 = arith.addi %mul3A_500, %add3A_501 : i32
        %mul3A_503 = arith.constant 16 : i32
        %mul3A_504 = arith.muli %add3A_502, %mul3A_503 : i32
        %get3A_505 = arith.index_cast %mul3A_504 : i32 to index
        %get3A_506 = tpu.vector_load %arg6[%get3A_505] {strides = array<i32>} : memref<12288xf32, #tpu.memory_space<vmem>>, vector<16xf32>,
        %mul3A_507 = arith.constant 16 : i32
        %mul3A_508 = arith.muli %add3A_502, %mul3A_507 : i32
        %add3A_509 = arith.constant 4096 : i32
        %add3A_510 = arith.addi %add3A_509, %mul3A_508 : i32
        %get3A_511 = arith.index_cast %add3A_510 : i32 to index
        %get3A_512 = tpu.vector_load %arg6[%get3A_511] {strides = array<i32>} : memref<12288xf32, #tpu.memory_space<vmem>>, vector<16xf32>,
        %mul3A_513 = arith.constant 16 : i32
        %mul3A_514 = arith.muli %add3A_502, %mul3A_513 : i32
        %add3A_515 = arith.constant 8192 : i32
        %add3A_516 = arith.addi %add3A_515, %mul3A_514 : i32
        %get3A_517 = arith.index_cast %add3A_516 : i32 to index
        %get3A_518 = tpu.vector_load %arg6[%get3A_517] {strides = array<i32>} : memref<12288xf32, #tpu.memory_space<vmem>>, vector<16xf32>,
        %mul3A_519 = arith.constant 16 : i32
        %mul3A_520 = arith.muli %add3A_502, %mul3A_519 : i32
        %get3A_521 = arith.index_cast %mul3A_520 : i32 to index
        %get3A_522 = tpu.vector_load %arg8[%get3A_521] {strides = array<i32>} : memref<4096xf32, #tpu.memory_space<vmem>>, vector<16xf32>,
        %mul3A_523 = arith.constant 8 : i32
        %mul3A_524 = arith.muli %mul3A_523, %scan3A_352 : i32
        %add3A_525 = arith.constant 7 : i32
        %add3A_526 = arith.addi %mul3A_524, %add3A_525 : i32
        %mul3A_527 = arith.constant 16 : i32
        %mul3A_528 = arith.muli %add3A_526, %mul3A_527 : i32
        %get3A_529 = arith.index_cast %mul3A_528 : i32 to index
        %get3A_530 = tpu.vector_load %arg6[%get3A_529] {strides = array<i32>} : memref<12288xf32, #tpu.memory_space<vmem>>, vector<16xf32>,
        %mul3A_531 = arith.constant 16 : i32
        %mul3A_532 = arith.muli %add3A_526, %mul3A_531 : i32
        %add3A_533 = arith.constant 4096 : i32
        %add3A_534 = arith.addi %add3A_533, %mul3A_532 : i32
        %get3A_535 = arith.index_cast %add3A_534 : i32 to index
        %get3A_536 = tpu.vector_load %arg6[%get3A_535] {strides = array<i32>} : memref<12288xf32, #tpu.memory_space<vmem>>, vector<16xf32>,
        %mul3A_537 = arith.constant 16 : i32
        %mul3A_538 = arith.muli %add3A_526, %mul3A_537 : i32
        %add3A_539 = arith.constant 8192 : i32
        %add3A_540 = arith.addi %add3A_539, %mul3A_538 : i32
        %get3A_541 = arith.index_cast %add3A_540 : i32 to index
        %get3A_542 = tpu.vector_load %arg6[%get3A_541] {strides = array<i32>} : memref<12288xf32, #tpu.memory_space<vmem>>, vector<16xf32>,
        %mul3A_543 = arith.constant 16 : i32
        %mul3A_544 = arith.muli %add3A_526, %mul3A_543 : i32
        %get3A_545 = arith.index_cast %mul3A_544 : i32 to index
        %get3A_546 = tpu.vector_load %arg8[%get3A_545] {strides = array<i32>} : memref<4096xf32, #tpu.memory_space<vmem>>, vector<16xf32>,
        %mul3A_547 = arith.constant 8 : i32
        %mul3A_548 = arith.muli %mul3A_547, %scan3A_352 : i32
        %add3A_549 = arith.constant 0 : i32
        %add3A_550 = arith.addi %mul3A_548, %add3A_549 : i32
        %mul3A_551 = arith.mulf %mul3A_158, %get3A_362 : vector<16xf32>
        %mul3A_552 = arith.mulf %mul3A_176, %get3A_368 : vector<16xf32>
        %add3A_553 = arith.addf %mul3A_551, %mul3A_552 : vector<16xf32>
        %mul3A_554 = arith.mulf %mul3A_194, %get3A_374 : vector<16xf32>
        %add3A_555 = arith.addf %add3A_553, %mul3A_554 : vector<16xf32>
        %add3A_556 = arith.addf %add3A_555, %add3A_142 : vector<16xf32>
        %add3A_557 = arith.addf %add3A_556, %get3A_378 : vector<16xf32>
        %mul3A_558 = arith.constant 16 : i32
        %mul3A_559 = arith.muli %add3A_550, %mul3A_558 : i32
        %add3A_560 = arith.constant 0 : i32
        %add3A_561 = arith.addi %add3A_560, %mul3A_559 : i32
        %swap3A_562 = arith.index_cast %add3A_561 : i32 to index
        %swap3A_563 = tpu.vector_load %arg9[%swap3A_562] {strides = array<i32>} : memref<8192xf32, #tpu.memory_space<vmem>>, vector<16xf32>,
        tpu.vector_store %arg9[%swap3A_562], %add3A_557 {strides = array<i32>} : memref<8192xf32, #tpu.memory_space<vmem>>, vector<16xf32>,
        %min3A = arith.minimumf %scan3A_353, %add3A_557 : vector<16xf32>
        %mul3A_564 = arith.mulf %mul3A_235, %get3A_362 : vector<16xf32>
        %mul3A_565 = arith.mulf %mul3A_253, %get3A_368 : vector<16xf32>
        %add3A_566 = arith.addf %mul3A_564, %mul3A_565 : vector<16xf32>
        %mul3A_567 = arith.mulf %mul3A_271, %get3A_374 : vector<16xf32>
        %add3A_568 = arith.addf %add3A_566, %mul3A_567 : vector<16xf32>
        %add3A_569 = arith.addf %add3A_568, %add3A_217 : vector<16xf32>
        %add3A_570 = arith.addf %add3A_569, %get3A_378 : vector<16xf32>
        %mul3A_571 = arith.constant 16 : i32
        %mul3A_572 = arith.muli %add3A_550, %mul3A_571 : i32
        %add3A_573 = arith.constant 4096 : i32
        %add3A_574 = arith.addi %add3A_573, %mul3A_572 : i32
        %swap3A_575 = arith.index_cast %add3A_574 : i32 to index
        %swap3A_576 = tpu.vector_load %arg9[%swap3A_575] {strides = array<i32>} : memref<8192xf32, #tpu.memory_space<vmem>>, vector<16xf32>,
        tpu.vector_store %arg9[%swap3A_575], %add3A_570 {strides = array<i32>} : memref<8192xf32, #tpu.memory_space<vmem>>, vector<16xf32>,
        %min3A_577 = arith.minimumf %scan3A_354, %add3A_570 : vector<16xf32>
        %mul3A_578 = arith.constant 8 : i32
        %mul3A_579 = arith.muli %mul3A_578, %scan3A_352 : i32
        %add3A_580 = arith.constant 1 : i32
        %add3A_581 = arith.addi %mul3A_579, %add3A_580 : i32
        %mul3A_582 = arith.mulf %mul3A_158, %get3A_386 : vector<16xf32>
        %mul3A_583 = arith.mulf %mul3A_176, %get3A_392 : vector<16xf32>
        %add3A_584 = arith.addf %mul3A_582, %mul3A_583 : vector<16xf32>
        %mul3A_585 = arith.mulf %mul3A_194, %get3A_398 : vector<16xf32>
        %add3A_586 = arith.addf %add3A_584, %mul3A_585 : vector<16xf32>
        %add3A_587 = arith.addf %add3A_586, %add3A_142 : vector<16xf32>
        %add3A_588 = arith.addf %add3A_587, %get3A_402 : vector<16xf32>
        %mul3A_589 = arith.constant 16 : i32
        %mul3A_590 = arith.muli %add3A_581, %mul3A_589 : i32
        %add3A_591 = arith.constant 0 : i32
        %add3A_592 = arith.addi %add3A_591, %mul3A_590 : i32
        %swap3A_593 = arith.index_cast %add3A_592 : i32 to index
        %swap3A_594 = tpu.vector_load %arg9[%swap3A_593] {strides = array<i32>} : memref<8192xf32, #tpu.memory_space<vmem>>, vector<16xf32>,
        tpu.vector_store %arg9[%swap3A_593], %add3A_588 {strides = array<i32>} : memref<8192xf32, #tpu.memory_space<vmem>>, vector<16xf32>,
        %min3A_595 = arith.minimumf %min3A, %add3A_588 : vector<16xf32>
        %mul3A_596 = arith.mulf %mul3A_235, %get3A_386 : vector<16xf32>
        %mul3A_597 = arith.mulf %mul3A_253, %get3A_392 : vector<16xf32>
        %add3A_598 = arith.addf %mul3A_596, %mul3A_597 : vector<16xf32>
        %mul3A_599 = arith.mulf %mul3A_271, %get3A_398 : vector<16xf32>
        %add3A_600 = arith.addf %add3A_598, %mul3A_599 : vector<16xf32>
        %add3A_601 = arith.addf %add3A_600, %add3A_217 : vector<16xf32>
        %add3A_602 = arith.addf %add3A_601, %get3A_402 : vector<16xf32>
        %mul3A_603 = arith.constant 16 : i32
        %mul3A_604 = arith.muli %add3A_581, %mul3A_603 : i32
        %add3A_605 = arith.constant 4096 : i32
        %add3A_606 = arith.addi %add3A_605, %mul3A_604 : i32
        %swap3A_607 = arith.index_cast %add3A_606 : i32 to index
        %swap3A_608 = tpu.vector_load %arg9[%swap3A_607] {strides = array<i32>} : memref<8192xf32, #tpu.memory_space<vmem>>, vector<16xf32>,
        tpu.vector_store %arg9[%swap3A_607], %add3A_602 {strides = array<i32>} : memref<8192xf32, #tpu.memory_space<vmem>>, vector<16xf32>,
        %min3A_609 = arith.minimumf %min3A_577, %add3A_602 : vector<16xf32>
        %mul3A_610 = arith.constant 8 : i32
        %mul3A_611 = arith.muli %mul3A_610, %scan3A_352 : i32
        %add3A_612 = arith.constant 2 : i32
        %add3A_613 = arith.addi %mul3A_611, %add3A_612 : i32
        %mul3A_614 = arith.mulf %mul3A_158, %get3A_410 : vector<16xf32>
        %mul3A_615 = arith.mulf %mul3A_176, %get3A_416 : vector<16xf32>
        %add3A_616 = arith.addf %mul3A_614, %mul3A_615 : vector<16xf32>
        %mul3A_617 = arith.mulf %mul3A_194, %get3A_422 : vector<16xf32>
        %add3A_618 = arith.addf %add3A_616, %mul3A_617 : vector<16xf32>
        %add3A_619 = arith.addf %add3A_618, %add3A_142 : vector<16xf32>
        %add3A_620 = arith.addf %add3A_619, %get3A_426 : vector<16xf32>
        %mul3A_621 = arith.constant 16 : i32
        %mul3A_622 = arith.muli %add3A_613, %mul3A_621 : i32
        %add3A_623 = arith.constant 0 : i32
        %add3A_624 = arith.addi %add3A_623, %mul3A_622 : i32
        %swap3A_625 = arith.index_cast %add3A_624 : i32 to index
        %swap3A_626 = tpu.vector_load %arg9[%swap3A_625] {strides = array<i32>} : memref<8192xf32, #tpu.memory_space<vmem>>, vector<16xf32>,
        tpu.vector_store %arg9[%swap3A_625], %add3A_620 {strides = array<i32>} : memref<8192xf32, #tpu.memory_space<vmem>>, vector<16xf32>,
        %min3A_627 = arith.minimumf %min3A_595, %add3A_620 : vector<16xf32>
        %mul3A_628 = arith.mulf %mul3A_235, %get3A_410 : vector<16xf32>
        %mul3A_629 = arith.mulf %mul3A_253, %get3A_416 : vector<16xf32>
        %add3A_630 = arith.addf %mul3A_628, %mul3A_629 : vector<16xf32>
        %mul3A_631 = arith.mulf %mul3A_271, %get3A_422 : vector<16xf32>
        %add3A_632 = arith.addf %add3A_630, %mul3A_631 : vector<16xf32>
        %add3A_633 = arith.addf %add3A_632, %add3A_217 : vector<16xf32>
        %add3A_634 = arith.addf %add3A_633, %get3A_426 : vector<16xf32>
        %mul3A_635 = arith.constant 16 : i32
        %mul3A_636 = arith.muli %add3A_613, %mul3A_635 : i32
        %add3A_637 = arith.constant 4096 : i32
        %add3A_638 = arith.addi %add3A_637, %mul3A_636 : i32
        %swap3A_639 = arith.index_cast %add3A_638 : i32 to index
        %swap3A_640 = tpu.vector_load %arg9[%swap3A_639] {strides = array<i32>} : memref<8192xf32, #tpu.memory_space<vmem>>, vector<16xf32>,
        tpu.vector_store %arg9[%swap3A_639], %add3A_634 {strides = array<i32>} : memref<8192xf32, #tpu.memory_space<vmem>>, vector<16xf32>,
        %min3A_641 = arith.minimumf %min3A_609, %add3A_634 : vector<16xf32>
        %mul3A_642 = arith.constant 8 : i32
        %mul3A_643 = arith.muli %mul3A_642, %scan3A_352 : i32
        %add3A_644 = arith.constant 3 : i32
        %add3A_645 = arith.addi %mul3A_643, %add3A_644 : i32
        %mul3A_646 = arith.mulf %mul3A_158, %get3A_434 : vector<16xf32>
        %mul3A_647 = arith.mulf %mul3A_176, %get3A_440 : vector<16xf32>
        %add3A_648 = arith.addf %mul3A_646, %mul3A_647 : vector<16xf32>
        %mul3A_649 = arith.mulf %mul3A_194, %get3A_446 : vector<16xf32>
        %add3A_650 = arith.addf %add3A_648, %mul3A_649 : vector<16xf32>
        %add3A_651 = arith.addf %add3A_650, %add3A_142 : vector<16xf32>
        %add3A_652 = arith.addf %add3A_651, %get3A_450 : vector<16xf32>
        %mul3A_653 = arith.constant 16 : i32
        %mul3A_654 = arith.muli %add3A_645, %mul3A_653 : i32
        %add3A_655 = arith.constant 0 : i32
        %add3A_656 = arith.addi %add3A_655, %mul3A_654 : i32
        %swap3A_657 = arith.index_cast %add3A_656 : i32 to index
        %swap3A_658 = tpu.vector_load %arg9[%swap3A_657] {strides = array<i32>} : memref<8192xf32, #tpu.memory_space<vmem>>, vector<16xf32>,
        tpu.vector_store %arg9[%swap3A_657], %add3A_652 {strides = array<i32>} : memref<8192xf32, #tpu.memory_space<vmem>>, vector<16xf32>,
        %min3A_659 = arith.minimumf %min3A_627, %add3A_652 : vector<16xf32>
        %mul3A_660 = arith.mulf %mul3A_235, %get3A_434 : vector<16xf32>
        %mul3A_661 = arith.mulf %mul3A_253, %get3A_440 : vector<16xf32>
        %add3A_662 = arith.addf %mul3A_660, %mul3A_661 : vector<16xf32>
        %mul3A_663 = arith.mulf %mul3A_271, %get3A_446 : vector<16xf32>
        %add3A_664 = arith.addf %add3A_662, %mul3A_663 : vector<16xf32>
        %add3A_665 = arith.addf %add3A_664, %add3A_217 : vector<16xf32>
        %add3A_666 = arith.addf %add3A_665, %get3A_450 : vector<16xf32>
        %mul3A_667 = arith.constant 16 : i32
        %mul3A_668 = arith.muli %add3A_645, %mul3A_667 : i32
        %add3A_669 = arith.constant 4096 : i32
        %add3A_670 = arith.addi %add3A_669, %mul3A_668 : i32
        %swap3A_671 = arith.index_cast %add3A_670 : i32 to index
        %swap3A_672 = tpu.vector_load %arg9[%swap3A_671] {strides = array<i32>} : memref<8192xf32, #tpu.memory_space<vmem>>, vector<16xf32>,
        tpu.vector_store %arg9[%swap3A_671], %add3A_666 {strides = array<i32>} : memref<8192xf32, #tpu.memory_space<vmem>>, vector<16xf32>,
        %min3A_673 = arith.minimumf %min3A_641, %add3A_666 : vector<16xf32>
        %mul3A_674 = arith.constant 8 : i32
        %mul3A_675 = arith.muli %mul3A_674, %scan3A_352 : i32
        %add3A_676 = arith.constant 4 : i32
        %add3A_677 = arith.addi %mul3A_675, %add3A_676 : i32
        %mul3A_678 = arith.mulf %mul3A_158, %get3A_458 : vector<16xf32>
        %mul3A_679 = arith.mulf %mul3A_176, %get3A_464 : vector<16xf32>
        %add3A_680 = arith.addf %mul3A_678, %mul3A_679 : vector<16xf32>
        %mul3A_681 = arith.mulf %mul3A_194, %get3A_470 : vector<16xf32>
        %add3A_682 = arith.addf %add3A_680, %mul3A_681 : vector<16xf32>
        %add3A_683 = arith.addf %add3A_682, %add3A_142 : vector<16xf32>
        %add3A_684 = arith.addf %add3A_683, %get3A_474 : vector<16xf32>
        %mul3A_685 = arith.constant 16 : i32
        %mul3A_686 = arith.muli %add3A_677, %mul3A_685 : i32
        %add3A_687 = arith.constant 0 : i32
        %add3A_688 = arith.addi %add3A_687, %mul3A_686 : i32
        %swap3A_689 = arith.index_cast %add3A_688 : i32 to index
        %swap3A_690 = tpu.vector_load %arg9[%swap3A_689] {strides = array<i32>} : memref<8192xf32, #tpu.memory_space<vmem>>, vector<16xf32>,
        tpu.vector_store %arg9[%swap3A_689], %add3A_684 {strides = array<i32>} : memref<8192xf32, #tpu.memory_space<vmem>>, vector<16xf32>,
        %min3A_691 = arith.minimumf %min3A_659, %add3A_684 : vector<16xf32>
        %mul3A_692 = arith.mulf %mul3A_235, %get3A_458 : vector<16xf32>
        %mul3A_693 = arith.mulf %mul3A_253, %get3A_464 : vector<16xf32>
        %add3A_694 = arith.addf %mul3A_692, %mul3A_693 : vector<16xf32>
        %mul3A_695 = arith.mulf %mul3A_271, %get3A_470 : vector<16xf32>
        %add3A_696 = arith.addf %add3A_694, %mul3A_695 : vector<16xf32>
        %add3A_697 = arith.addf %add3A_696, %add3A_217 : vector<16xf32>
        %add3A_698 = arith.addf %add3A_697, %get3A_474 : vector<16xf32>
        %mul3A_699 = arith.constant 16 : i32
        %mul3A_700 = arith.muli %add3A_677, %mul3A_699 : i32
        %add3A_701 = arith.constant 4096 : i32
        %add3A_702 = arith.addi %add3A_701, %mul3A_700 : i32
        %swap3A_703 = arith.index_cast %add3A_702 : i32 to index
        %swap3A_704 = tpu.vector_load %arg9[%swap3A_703] {strides = array<i32>} : memref<8192xf32, #tpu.memory_space<vmem>>, vector<16xf32>,
        tpu.vector_store %arg9[%swap3A_703], %add3A_698 {strides = array<i32>} : memref<8192xf32, #tpu.memory_space<vmem>>, vector<16xf32>,
        %min3A_705 = arith.minimumf %min3A_673, %add3A_698 : vector<16xf32>
        %mul3A_706 = arith.constant 8 : i32
        %mul3A_707 = arith.muli %mul3A_706, %scan3A_352 : i32
        %add3A_708 = arith.constant 5 : i32
        %add3A_709 = arith.addi %mul3A_707, %add3A_708 : i32
        %mul3A_710 = arith.mulf %mul3A_158, %get3A_482 : vector<16xf32>
        %mul3A_711 = arith.mulf %mul3A_176, %get3A_488 : vector<16xf32>
        %add3A_712 = arith.addf %mul3A_710, %mul3A_711 : vector<16xf32>
        %mul3A_713 = arith.mulf %mul3A_194, %get3A_494 : vector<16xf32>
        %add3A_714 = arith.addf %add3A_712, %mul3A_713 : vector<16xf32>
        %add3A_715 = arith.addf %add3A_714, %add3A_142 : vector<16xf32>
        %add3A_716 = arith.addf %add3A_715, %get3A_498 : vector<16xf32>
        %mul3A_717 = arith.constant 16 : i32
        %mul3A_718 = arith.muli %add3A_709, %mul3A_717 : i32
        %add3A_719 = arith.constant 0 : i32
        %add3A_720 = arith.addi %add3A_719, %mul3A_718 : i32
        %swap3A_721 = arith.index_cast %add3A_720 : i32 to index
        %swap3A_722 = tpu.vector_load %arg9[%swap3A_721] {strides = array<i32>} : memref<8192xf32, #tpu.memory_space<vmem>>, vector<16xf32>,
        tpu.vector_store %arg9[%swap3A_721], %add3A_716 {strides = array<i32>} : memref<8192xf32, #tpu.memory_space<vmem>>, vector<16xf32>,
        %min3A_723 = arith.minimumf %min3A_691, %add3A_716 : vector<16xf32>
        %mul3A_724 = arith.mulf %mul3A_235, %get3A_482 : vector<16xf32>
        %mul3A_725 = arith.mulf %mul3A_253, %get3A_488 : vector<16xf32>
        %add3A_726 = arith.addf %mul3A_724, %mul3A_725 : vector<16xf32>
        %mul3A_727 = arith.mulf %mul3A_271, %get3A_494 : vector<16xf32>
        %add3A_728 = arith.addf %add3A_726, %mul3A_727 : vector<16xf32>
        %add3A_729 = arith.addf %add3A_728, %add3A_217 : vector<16xf32>
        %add3A_730 = arith.addf %add3A_729, %get3A_498 : vector<16xf32>
        %mul3A_731 = arith.constant 16 : i32
        %mul3A_732 = arith.muli %add3A_709, %mul3A_731 : i32
        %add3A_733 = arith.constant 4096 : i32
        %add3A_734 = arith.addi %add3A_733, %mul3A_732 : i32
        %swap3A_735 = arith.index_cast %add3A_734 : i32 to index
        %swap3A_736 = tpu.vector_load %arg9[%swap3A_735] {strides = array<i32>} : memref<8192xf32, #tpu.memory_space<vmem>>, vector<16xf32>,
        tpu.vector_store %arg9[%swap3A_735], %add3A_730 {strides = array<i32>} : memref<8192xf32, #tpu.memory_space<vmem>>, vector<16xf32>,
        %min3A_737 = arith.minimumf %min3A_705, %add3A_730 : vector<16xf32>
        %mul3A_738 = arith.constant 8 : i32
        %mul3A_739 = arith.muli %mul3A_738, %scan3A_352 : i32
        %add3A_740 = arith.constant 6 : i32
        %add3A_741 = arith.addi %mul3A_739, %add3A_740 : i32
        %mul3A_742 = arith.mulf %mul3A_158, %get3A_506 : vector<16xf32>
        %mul3A_743 = arith.mulf %mul3A_176, %get3A_512 : vector<16xf32>
        %add3A_744 = arith.addf %mul3A_742, %mul3A_743 : vector<16xf32>
        %mul3A_745 = arith.mulf %mul3A_194, %get3A_518 : vector<16xf32>
        %add3A_746 = arith.addf %add3A_744, %mul3A_745 : vector<16xf32>
        %add3A_747 = arith.addf %add3A_746, %add3A_142 : vector<16xf32>
        %add3A_748 = arith.addf %add3A_747, %get3A_522 : vector<16xf32>
        %mul3A_749 = arith.constant 16 : i32
        %mul3A_750 = arith.muli %add3A_741, %mul3A_749 : i32
        %add3A_751 = arith.constant 0 : i32
        %add3A_752 = arith.addi %add3A_751, %mul3A_750 : i32
        %swap3A_753 = arith.index_cast %add3A_752 : i32 to index
        %swap3A_754 = tpu.vector_load %arg9[%swap3A_753] {strides = array<i32>} : memref<8192xf32, #tpu.memory_space<vmem>>, vector<16xf32>,
        tpu.vector_store %arg9[%swap3A_753], %add3A_748 {strides = array<i32>} : memref<8192xf32, #tpu.memory_space<vmem>>, vector<16xf32>,
        %min3A_755 = arith.minimumf %min3A_723, %add3A_748 : vector<16xf32>
        %mul3A_756 = arith.mulf %mul3A_235, %get3A_506 : vector<16xf32>
        %mul3A_757 = arith.mulf %mul3A_253, %get3A_512 : vector<16xf32>
        %add3A_758 = arith.addf %mul3A_756, %mul3A_757 : vector<16xf32>
        %mul3A_759 = arith.mulf %mul3A_271, %get3A_518 : vector<16xf32>
        %add3A_760 = arith.addf %add3A_758, %mul3A_759 : vector<16xf32>
        %add3A_761 = arith.addf %add3A_760, %add3A_217 : vector<16xf32>
        %add3A_762 = arith.addf %add3A_761, %get3A_522 : vector<16xf32>
        %mul3A_763 = arith.constant 16 : i32
        %mul3A_764 = arith.muli %add3A_741, %mul3A_763 : i32
        %add3A_765 = arith.constant 4096 : i32
        %add3A_766 = arith.addi %add3A_765, %mul3A_764 : i32
        %swap3A_767 = arith.index_cast %add3A_766 : i32 to index
        %swap3A_768 = tpu.vector_load %arg9[%swap3A_767] {strides = array<i32>} : memref<8192xf32, #tpu.memory_space<vmem>>, vector<16xf32>,
        tpu.vector_store %arg9[%swap3A_767], %add3A_762 {strides = array<i32>} : memref<8192xf32, #tpu.memory_space<vmem>>, vector<16xf32>,
        %min3A_769 = arith.minimumf %min3A_737, %add3A_762 : vector<16xf32>
        %mul3A_770 = arith.constant 8 : i32
        %mul3A_771 = arith.muli %mul3A_770, %scan3A_352 : i32
        %add3A_772 = arith.constant 7 : i32
        %add3A_773 = arith.addi %mul3A_771, %add3A_772 : i32
        %mul3A_774 = arith.mulf %mul3A_158, %get3A_530 : vector<16xf32>
        %mul3A_775 = arith.mulf %mul3A_176, %get3A_536 : vector<16xf32>
        %add3A_776 = arith.addf %mul3A_774, %mul3A_775 : vector<16xf32>
        %mul3A_777 = arith.mulf %mul3A_194, %get3A_542 : vector<16xf32>
        %add3A_778 = arith.addf %add3A_776, %mul3A_777 : vector<16xf32>
        %add3A_779 = arith.addf %add3A_778, %add3A_142 : vector<16xf32>
        %add3A_780 = arith.addf %add3A_779, %get3A_546 : vector<16xf32>
        %mul3A_781 = arith.constant 16 : i32
        %mul3A_782 = arith.muli %add3A_773, %mul3A_781 : i32
        %add3A_783 = arith.constant 0 : i32
        %add3A_784 = arith.addi %add3A_783, %mul3A_782 : i32
        %swap3A_785 = arith.index_cast %add3A_784 : i32 to index
        %swap3A_786 = tpu.vector_load %arg9[%swap3A_785] {strides = array<i32>} : memref<8192xf32, #tpu.memory_space<vmem>>, vector<16xf32>,
        tpu.vector_store %arg9[%swap3A_785], %add3A_780 {strides = array<i32>} : memref<8192xf32, #tpu.memory_space<vmem>>, vector<16xf32>,
        %min3A_787 = arith.minimumf %min3A_755, %add3A_780 : vector<16xf32>
        %mul3A_788 = arith.mulf %mul3A_235, %get3A_530 : vector<16xf32>
        %mul3A_789 = arith.mulf %mul3A_253, %get3A_536 : vector<16xf32>
        %add3A_790 = arith.addf %mul3A_788, %mul3A_789 : vector<16xf32>
        %mul3A_791 = arith.mulf %mul3A_271, %get3A_542 : vector<16xf32>
        %add3A_792 = arith.addf %add3A_790, %mul3A_791 : vector<16xf32>
        %add3A_793 = arith.addf %add3A_792, %add3A_217 : vector<16xf32>
        %add3A_794 = arith.addf %add3A_793, %get3A_546 : vector<16xf32>
        %mul3A_795 = arith.constant 16 : i32
        %mul3A_796 = arith.muli %add3A_773, %mul3A_795 : i32
        %add3A_797 = arith.constant 4096 : i32
        %add3A_798 = arith.addi %add3A_797, %mul3A_796 : i32
        %swap3A_799 = arith.index_cast %add3A_798 : i32 to index
        %swap3A_800 = tpu.vector_load %arg9[%swap3A_799] {strides = array<i32>} : memref<8192xf32, #tpu.memory_space<vmem>>, vector<16xf32>,
        tpu.vector_store %arg9[%swap3A_799], %add3A_794 {strides = array<i32>} : memref<8192xf32, #tpu.memory_space<vmem>>, vector<16xf32>,
        %min3A_801 = arith.minimumf %min3A_769, %add3A_794 : vector<16xf32>
        scf.yield %min3A_787, %min3A_801 : vector<16xf32>, vector<16xf32>
      }
      %scan3A_277 = arith.constant 32 : i32
      %masked_sort3A = arith.constant dense<true> : vector<16xi1>
      %masked_sort3A_278, %masked_sort3A_279, %masked_sort3A_280 = tpu.sort %scan3A_276#0, %iota3A masked %masked_sort3A : (vector<16xf32>, vector<16xi32>, vector<16xi1>) -> (vector<16xi1>, vector<16xf32>, vector<16xi32>)
      %broadcast_in_dim3A_281 = vector.shape_cast %broadcast_in_dim3A_37 : vector<16xi32> to vector<16x1xi32>
      %gather3A_282 = vector.shape_cast %broadcast_in_dim3A_281 : vector<16x1xi32> to vector<16xi32>
      %gather3A_283 = tpu.dynamic_gather %masked_sort3A_279[%gather3A_282] in [0] : vector<16xf32>, vector<16xi32> -> vector<16xf32>
      %masked_sort3A_284 = arith.constant dense<true> : vector<16xi1>
      %masked_sort3A_285, %masked_sort3A_286, %masked_sort3A_287 = tpu.sort %scan3A_276#1, %iota3A masked %masked_sort3A_284 : (vector<16xf32>, vector<16xi32>, vector<16xi1>) -> (vector<16xi1>, vector<16xf32>, vector<16xi32>)
      %broadcast_in_dim3A_288 = vector.shape_cast %broadcast_in_dim3A_37 : vector<16xi32> to vector<16x1xi32>
      %gather3A_289 = vector.shape_cast %broadcast_in_dim3A_288 : vector<16x1xi32> to vector<16xi32>
      %gather3A_290 = tpu.dynamic_gather %masked_sort3A_286[%gather3A_289] in [0] : vector<16xf32>, vector<16xi32> -> vector<16xf32>
      %add3A_291 = arith.constant 0 : i32
      %add3A_292 = vector.broadcast %add3A_291 : i32 to vector<16xi32>
      %add3A_293 = arith.addi %mul3A_46, %add3A_292 : vector<16xi32>
      %add3A_294 = arith.constant 4096 : i32
      %add3A_295 = vector.broadcast %add3A_294 : i32 to vector<16xi32>
      %add3A_296 = arith.addi %mul3A_46, %add3A_295 : vector<16xi32>
      %scan3A_297 = arith.constant 0 : i32
      %scan3A_298 = arith.constant 32 : i32
      %scan3A_299 = arith.addi %scan3A_297, %scan3A_298 : i32
      %scan3A_300 = arith.constant 1 : i32
      %scan3A_301:2 = scf.for %scan3A_352 = %scan3A_297 to %scan3A_299 step %scan3A_300 iter_args(%scan3A_353 = %add3A_293, %scan3A_354 = %add3A_296) -> (vector<16xi32>, vector<16xi32>)  : i32 {
        %mul3A_355 = arith.constant 8 : i32
        %mul3A_356 = arith.muli %mul3A_355, %scan3A_352 : i32
        %add3A_357 = arith.constant 0 : i32
        %add3A_358 = arith.addi %mul3A_356, %add3A_357 : i32
        %mul3A_359 = arith.constant 16 : i32
        %mul3A_360 = arith.muli %add3A_358, %mul3A_359 : i32
        %add3A_361 = arith.constant 0 : i32
        %add3A_362 = arith.addi %add3A_361, %mul3A_360 : i32
        %get3A_363 = arith.index_cast %add3A_362 : i32 to index
        %get3A_364 = tpu.vector_load %arg9[%get3A_363] {strides = array<i32>} : memref<8192xf32, #tpu.memory_space<vmem>>, vector<16xf32>,
        %mul3A_365 = arith.constant 16 : i32
        %mul3A_366 = arith.muli %add3A_358, %mul3A_365 : i32
        %add3A_367 = arith.constant 4096 : i32
        %add3A_368 = arith.addi %add3A_367, %mul3A_366 : i32
        %get3A_369 = arith.index_cast %add3A_368 : i32 to index
        %get3A_370 = tpu.vector_load %arg9[%get3A_369] {strides = array<i32>} : memref<8192xf32, #tpu.memory_space<vmem>>, vector<16xf32>,
        %mul3A_371 = arith.constant 8 : i32
        %mul3A_372 = arith.muli %mul3A_371, %scan3A_352 : i32
        %add3A_373 = arith.constant 1 : i32
        %add3A_374 = arith.addi %mul3A_372, %add3A_373 : i32
        %mul3A_375 = arith.constant 16 : i32
        %mul3A_376 = arith.muli %add3A_374, %mul3A_375 : i32
        %add3A_377 = arith.constant 0 : i32
        %add3A_378 = arith.addi %add3A_377, %mul3A_376 : i32
        %get3A_379 = arith.index_cast %add3A_378 : i32 to index
        %get3A_380 = tpu.vector_load %arg9[%get3A_379] {strides = array<i32>} : memref<8192xf32, #tpu.memory_space<vmem>>, vector<16xf32>,
        %mul3A_381 = arith.constant 16 : i32
        %mul3A_382 = arith.muli %add3A_374, %mul3A_381 : i32
        %add3A_383 = arith.constant 4096 : i32
        %add3A_384 = arith.addi %add3A_383, %mul3A_382 : i32
        %get3A_385 = arith.index_cast %add3A_384 : i32 to index
        %get3A_386 = tpu.vector_load %arg9[%get3A_385] {strides = array<i32>} : memref<8192xf32, #tpu.memory_space<vmem>>, vector<16xf32>,
        %mul3A_387 = arith.constant 8 : i32
        %mul3A_388 = arith.muli %mul3A_387, %scan3A_352 : i32
        %add3A_389 = arith.constant 2 : i32
        %add3A_390 = arith.addi %mul3A_388, %add3A_389 : i32
        %mul3A_391 = arith.constant 16 : i32
        %mul3A_392 = arith.muli %add3A_390, %mul3A_391 : i32
        %add3A_393 = arith.constant 0 : i32
        %add3A_394 = arith.addi %add3A_393, %mul3A_392 : i32
        %get3A_395 = arith.index_cast %add3A_394 : i32 to index
        %get3A_396 = tpu.vector_load %arg9[%get3A_395] {strides = array<i32>} : memref<8192xf32, #tpu.memory_space<vmem>>, vector<16xf32>,
        %mul3A_397 = arith.constant 16 : i32
        %mul3A_398 = arith.muli %add3A_390, %mul3A_397 : i32
        %add3A_399 = arith.constant 4096 : i32
        %add3A_400 = arith.addi %add3A_399, %mul3A_398 : i32
        %get3A_401 = arith.index_cast %add3A_400 : i32 to index
        %get3A_402 = tpu.vector_load %arg9[%get3A_401] {strides = array<i32>} : memref<8192xf32, #tpu.memory_space<vmem>>, vector<16xf32>,
        %mul3A_403 = arith.constant 8 : i32
        %mul3A_404 = arith.muli %mul3A_403, %scan3A_352 : i32
        %add3A_405 = arith.constant 3 : i32
        %add3A_406 = arith.addi %mul3A_404, %add3A_405 : i32
        %mul3A_407 = arith.constant 16 : i32
        %mul3A_408 = arith.muli %add3A_406, %mul3A_407 : i32
        %add3A_409 = arith.constant 0 : i32
        %add3A_410 = arith.addi %add3A_409, %mul3A_408 : i32
        %get3A_411 = arith.index_cast %add3A_410 : i32 to index
        %get3A_412 = tpu.vector_load %arg9[%get3A_411] {strides = array<i32>} : memref<8192xf32, #tpu.memory_space<vmem>>, vector<16xf32>,
        %mul3A_413 = arith.constant 16 : i32
        %mul3A_414 = arith.muli %add3A_406, %mul3A_413 : i32
        %add3A_415 = arith.constant 4096 : i32
        %add3A_416 = arith.addi %add3A_415, %mul3A_414 : i32
        %get3A_417 = arith.index_cast %add3A_416 : i32 to index
        %get3A_418 = tpu.vector_load %arg9[%get3A_417] {strides = array<i32>} : memref<8192xf32, #tpu.memory_space<vmem>>, vector<16xf32>,
        %mul3A_419 = arith.constant 8 : i32
        %mul3A_420 = arith.muli %mul3A_419, %scan3A_352 : i32
        %add3A_421 = arith.constant 4 : i32
        %add3A_422 = arith.addi %mul3A_420, %add3A_421 : i32
        %mul3A_423 = arith.constant 16 : i32
        %mul3A_424 = arith.muli %add3A_422, %mul3A_423 : i32
        %add3A_425 = arith.constant 0 : i32
        %add3A_426 = arith.addi %add3A_425, %mul3A_424 : i32
        %get3A_427 = arith.index_cast %add3A_426 : i32 to index
        %get3A_428 = tpu.vector_load %arg9[%get3A_427] {strides = array<i32>} : memref<8192xf32, #tpu.memory_space<vmem>>, vector<16xf32>,
        %mul3A_429 = arith.constant 16 : i32
        %mul3A_430 = arith.muli %add3A_422, %mul3A_429 : i32
        %add3A_431 = arith.constant 4096 : i32
        %add3A_432 = arith.addi %add3A_431, %mul3A_430 : i32
        %get3A_433 = arith.index_cast %add3A_432 : i32 to index
        %get3A_434 = tpu.vector_load %arg9[%get3A_433] {strides = array<i32>} : memref<8192xf32, #tpu.memory_space<vmem>>, vector<16xf32>,
        %mul3A_435 = arith.constant 8 : i32
        %mul3A_436 = arith.muli %mul3A_435, %scan3A_352 : i32
        %add3A_437 = arith.constant 5 : i32
        %add3A_438 = arith.addi %mul3A_436, %add3A_437 : i32
        %mul3A_439 = arith.constant 16 : i32
        %mul3A_440 = arith.muli %add3A_438, %mul3A_439 : i32
        %add3A_441 = arith.constant 0 : i32
        %add3A_442 = arith.addi %add3A_441, %mul3A_440 : i32
        %get3A_443 = arith.index_cast %add3A_442 : i32 to index
        %get3A_444 = tpu.vector_load %arg9[%get3A_443] {strides = array<i32>} : memref<8192xf32, #tpu.memory_space<vmem>>, vector<16xf32>,
        %mul3A_445 = arith.constant 16 : i32
        %mul3A_446 = arith.muli %add3A_438, %mul3A_445 : i32
        %add3A_447 = arith.constant 4096 : i32
        %add3A_448 = arith.addi %add3A_447, %mul3A_446 : i32
        %get3A_449 = arith.index_cast %add3A_448 : i32 to index
        %get3A_450 = tpu.vector_load %arg9[%get3A_449] {strides = array<i32>} : memref<8192xf32, #tpu.memory_space<vmem>>, vector<16xf32>,
        %mul3A_451 = arith.constant 8 : i32
        %mul3A_452 = arith.muli %mul3A_451, %scan3A_352 : i32
        %add3A_453 = arith.constant 6 : i32
        %add3A_454 = arith.addi %mul3A_452, %add3A_453 : i32
        %mul3A_455 = arith.constant 16 : i32
        %mul3A_456 = arith.muli %add3A_454, %mul3A_455 : i32
        %add3A_457 = arith.constant 0 : i32
        %add3A_458 = arith.addi %add3A_457, %mul3A_456 : i32
        %get3A_459 = arith.index_cast %add3A_458 : i32 to index
        %get3A_460 = tpu.vector_load %arg9[%get3A_459] {strides = array<i32>} : memref<8192xf32, #tpu.memory_space<vmem>>, vector<16xf32>,
        %mul3A_461 = arith.constant 16 : i32
        %mul3A_462 = arith.muli %add3A_454, %mul3A_461 : i32
        %add3A_463 = arith.constant 4096 : i32
        %add3A_464 = arith.addi %add3A_463, %mul3A_462 : i32
        %get3A_465 = arith.index_cast %add3A_464 : i32 to index
        %get3A_466 = tpu.vector_load %arg9[%get3A_465] {strides = array<i32>} : memref<8192xf32, #tpu.memory_space<vmem>>, vector<16xf32>,
        %mul3A_467 = arith.constant 8 : i32
        %mul3A_468 = arith.muli %mul3A_467, %scan3A_352 : i32
        %add3A_469 = arith.constant 7 : i32
        %add3A_470 = arith.addi %mul3A_468, %add3A_469 : i32
        %mul3A_471 = arith.constant 16 : i32
        %mul3A_472 = arith.muli %add3A_470, %mul3A_471 : i32
        %add3A_473 = arith.constant 0 : i32
        %add3A_474 = arith.addi %add3A_473, %mul3A_472 : i32
        %get3A_475 = arith.index_cast %add3A_474 : i32 to index
        %get3A_476 = tpu.vector_load %arg9[%get3A_475] {strides = array<i32>} : memref<8192xf32, #tpu.memory_space<vmem>>, vector<16xf32>,
        %mul3A_477 = arith.constant 16 : i32
        %mul3A_478 = arith.muli %add3A_470, %mul3A_477 : i32
        %add3A_479 = arith.constant 4096 : i32
        %add3A_480 = arith.addi %add3A_479, %mul3A_478 : i32
        %get3A_481 = arith.index_cast %add3A_480 : i32 to index
        %get3A_482 = tpu.vector_load %arg9[%get3A_481] {strides = array<i32>} : memref<8192xf32, #tpu.memory_space<vmem>>, vector<16xf32>,
        %le3A = arith.cmpf ole, %get3A_364, %gather3A_283 : vector<16xf32>
        %le3A_483 = arith.cmpf ole, %get3A_370, %gather3A_290 : vector<16xf32>
        %le3A_484 = arith.cmpf ole, %get3A_380, %gather3A_283 : vector<16xf32>
        %le3A_485 = arith.cmpf ole, %get3A_386, %gather3A_290 : vector<16xf32>
        %le3A_486 = arith.cmpf ole, %get3A_396, %gather3A_283 : vector<16xf32>
        %le3A_487 = arith.cmpf ole, %get3A_402, %gather3A_290 : vector<16xf32>
        %le3A_488 = arith.cmpf ole, %get3A_412, %gather3A_283 : vector<16xf32>
        %le3A_489 = arith.cmpf ole, %get3A_418, %gather3A_290 : vector<16xf32>
        %le3A_490 = arith.cmpf ole, %get3A_428, %gather3A_283 : vector<16xf32>
        %le3A_491 = arith.cmpf ole, %get3A_434, %gather3A_290 : vector<16xf32>
        %le3A_492 = arith.cmpf ole, %get3A_444, %gather3A_283 : vector<16xf32>
        %le3A_493 = arith.cmpf ole, %get3A_450, %gather3A_290 : vector<16xf32>
        %le3A_494 = arith.cmpf ole, %get3A_460, %gather3A_283 : vector<16xf32>
        %le3A_495 = arith.cmpf ole, %get3A_466, %gather3A_290 : vector<16xf32>
        %le3A_496 = arith.cmpf ole, %get3A_476, %gather3A_283 : vector<16xf32>
        %le3A_497 = arith.cmpf ole, %get3A_482, %gather3A_290 : vector<16xf32>
        %mul3A_498 = arith.constant 8 : i32
        %mul3A_499 = arith.muli %mul3A_498, %scan3A_352 : i32
        %add3A_500 = arith.constant 0 : i32
        %add3A_501 = arith.addi %mul3A_499, %add3A_500 : i32
        %mul3A_502 = arith.constant 16 : i32
        %mul3A_503 = arith.muli %add3A_501, %mul3A_502 : i32
        %add3A_504 = arith.constant 0 : i32
        %add3A_505 = arith.addi %mul3A_503, %add3A_504 : i32
        %add3A_506 = vector.broadcast %add3A_505 : i32 to vector<16xi32>
        %add3A_507 = arith.addi %iota3A, %add3A_506 : vector<16xi32>
        tpu.vector_store_idx %arg10[%scan3A_353], %add3A_507 masked %le3A : memref<8192xi32, #tpu.memory_space<vmem>>[vector<16xi32>], vector<16xi32>, vector<16xi1>
        %select_n3A_508 = arith.select %le3A, %broadcast_in_dim3A_33, %broadcast_in_dim3A_31 : vector<16xi1>, vector<16xi32>
        %add3A_509 = arith.addi %scan3A_353, %select_n3A_508 : vector<16xi32>
        %mul3A_510 = arith.constant 16 : i32
        %mul3A_511 = arith.muli %add3A_501, %mul3A_510 : i32
        %add3A_512 = arith.constant 4096 : i32
        %add3A_513 = arith.addi %mul3A_511, %add3A_512 : i32
        %add3A_514 = vector.broadcast %add3A_513 : i32 to vector<16xi32>
        %add3A_515 = arith.addi %iota3A, %add3A_514 : vector<16xi32>
        tpu.vector_store_idx %arg10[%scan3A_354], %add3A_515 masked %le3A_483 : memref<8192xi32, #tpu.memory_space<vmem>>[vector<16xi32>], vector<16xi32>, vector<16xi1>
        %select_n3A_516 = arith.select %le3A_483, %broadcast_in_dim3A_33, %broadcast_in_dim3A_31 : vector<16xi1>, vector<16xi32>
        %add3A_517 = arith.addi %scan3A_354, %select_n3A_516 : vector<16xi32>
        %mul3A_518 = arith.constant 8 : i32
        %mul3A_519 = arith.muli %mul3A_518, %scan3A_352 : i32
        %add3A_520 = arith.constant 1 : i32
        %add3A_521 = arith.addi %mul3A_519, %add3A_520 : i32
        %mul3A_522 = arith.constant 16 : i32
        %mul3A_523 = arith.muli %add3A_521, %mul3A_522 : i32
        %add3A_524 = arith.constant 0 : i32
        %add3A_525 = arith.addi %mul3A_523, %add3A_524 : i32
        %add3A_526 = vector.broadcast %add3A_525 : i32 to vector<16xi32>
        %add3A_527 = arith.addi %iota3A, %add3A_526 : vector<16xi32>
        tpu.vector_store_idx %arg10[%add3A_509], %add3A_527 masked %le3A_484 : memref<8192xi32, #tpu.memory_space<vmem>>[vector<16xi32>], vector<16xi32>, vector<16xi1>
        %select_n3A_528 = arith.select %le3A_484, %broadcast_in_dim3A_33, %broadcast_in_dim3A_31 : vector<16xi1>, vector<16xi32>
        %add3A_529 = arith.addi %add3A_509, %select_n3A_528 : vector<16xi32>
        %mul3A_530 = arith.constant 16 : i32
        %mul3A_531 = arith.muli %add3A_521, %mul3A_530 : i32
        %add3A_532 = arith.constant 4096 : i32
        %add3A_533 = arith.addi %mul3A_531, %add3A_532 : i32
        %add3A_534 = vector.broadcast %add3A_533 : i32 to vector<16xi32>
        %add3A_535 = arith.addi %iota3A, %add3A_534 : vector<16xi32>
        tpu.vector_store_idx %arg10[%add3A_517], %add3A_535 masked %le3A_485 : memref<8192xi32, #tpu.memory_space<vmem>>[vector<16xi32>], vector<16xi32>, vector<16xi1>
        %select_n3A_536 = arith.select %le3A_485, %broadcast_in_dim3A_33, %broadcast_in_dim3A_31 : vector<16xi1>, vector<16xi32>
        %add3A_537 = arith.addi %add3A_517, %select_n3A_536 : vector<16xi32>
        %mul3A_538 = arith.constant 8 : i32
        %mul3A_539 = arith.muli %mul3A_538, %scan3A_352 : i32
        %add3A_540 = arith.constant 2 : i32
        %add3A_541 = arith.addi %mul3A_539, %add3A_540 : i32
        %mul3A_542 = arith.constant 16 : i32
        %mul3A_543 = arith.muli %add3A_541, %mul3A_542 : i32
        %add3A_544 = arith.constant 0 : i32
        %add3A_545 = arith.addi %mul3A_543, %add3A_544 : i32
        %add3A_546 = vector.broadcast %add3A_545 : i32 to vector<16xi32>
        %add3A_547 = arith.addi %iota3A, %add3A_546 : vector<16xi32>
        tpu.vector_store_idx %arg10[%add3A_529], %add3A_547 masked %le3A_486 : memref<8192xi32, #tpu.memory_space<vmem>>[vector<16xi32>], vector<16xi32>, vector<16xi1>
        %select_n3A_548 = arith.select %le3A_486, %broadcast_in_dim3A_33, %broadcast_in_dim3A_31 : vector<16xi1>, vector<16xi32>
        %add3A_549 = arith.addi %add3A_529, %select_n3A_548 : vector<16xi32>
        %mul3A_550 = arith.constant 16 : i32
        %mul3A_551 = arith.muli %add3A_541, %mul3A_550 : i32
        %add3A_552 = arith.constant 4096 : i32
        %add3A_553 = arith.addi %mul3A_551, %add3A_552 : i32
        %add3A_554 = vector.broadcast %add3A_553 : i32 to vector<16xi32>
        %add3A_555 = arith.addi %iota3A, %add3A_554 : vector<16xi32>
        tpu.vector_store_idx %arg10[%add3A_537], %add3A_555 masked %le3A_487 : memref<8192xi32, #tpu.memory_space<vmem>>[vector<16xi32>], vector<16xi32>, vector<16xi1>
        %select_n3A_556 = arith.select %le3A_487, %broadcast_in_dim3A_33, %broadcast_in_dim3A_31 : vector<16xi1>, vector<16xi32>
        %add3A_557 = arith.addi %add3A_537, %select_n3A_556 : vector<16xi32>
        %mul3A_558 = arith.constant 8 : i32
        %mul3A_559 = arith.muli %mul3A_558, %scan3A_352 : i32
        %add3A_560 = arith.constant 3 : i32
        %add3A_561 = arith.addi %mul3A_559, %add3A_560 : i32
        %mul3A_562 = arith.constant 16 : i32
        %mul3A_563 = arith.muli %add3A_561, %mul3A_562 : i32
        %add3A_564 = arith.constant 0 : i32
        %add3A_565 = arith.addi %mul3A_563, %add3A_564 : i32
        %add3A_566 = vector.broadcast %add3A_565 : i32 to vector<16xi32>
        %add3A_567 = arith.addi %iota3A, %add3A_566 : vector<16xi32>
        tpu.vector_store_idx %arg10[%add3A_549], %add3A_567 masked %le3A_488 : memref<8192xi32, #tpu.memory_space<vmem>>[vector<16xi32>], vector<16xi32>, vector<16xi1>
        %select_n3A_568 = arith.select %le3A_488, %broadcast_in_dim3A_33, %broadcast_in_dim3A_31 : vector<16xi1>, vector<16xi32>
        %add3A_569 = arith.addi %add3A_549, %select_n3A_568 : vector<16xi32>
        %mul3A_570 = arith.constant 16 : i32
        %mul3A_571 = arith.muli %add3A_561, %mul3A_570 : i32
        %add3A_572 = arith.constant 4096 : i32
        %add3A_573 = arith.addi %mul3A_571, %add3A_572 : i32
        %add3A_574 = vector.broadcast %add3A_573 : i32 to vector<16xi32>
        %add3A_575 = arith.addi %iota3A, %add3A_574 : vector<16xi32>
        tpu.vector_store_idx %arg10[%add3A_557], %add3A_575 masked %le3A_489 : memref<8192xi32, #tpu.memory_space<vmem>>[vector<16xi32>], vector<16xi32>, vector<16xi1>
        %select_n3A_576 = arith.select %le3A_489, %broadcast_in_dim3A_33, %broadcast_in_dim3A_31 : vector<16xi1>, vector<16xi32>
        %add3A_577 = arith.addi %add3A_557, %select_n3A_576 : vector<16xi32>
        %mul3A_578 = arith.constant 8 : i32
        %mul3A_579 = arith.muli %mul3A_578, %scan3A_352 : i32
        %add3A_580 = arith.constant 4 : i32
        %add3A_581 = arith.addi %mul3A_579, %add3A_580 : i32
        %mul3A_582 = arith.constant 16 : i32
        %mul3A_583 = arith.muli %add3A_581, %mul3A_582 : i32
        %add3A_584 = arith.constant 0 : i32
        %add3A_585 = arith.addi %mul3A_583, %add3A_584 : i32
        %add3A_586 = vector.broadcast %add3A_585 : i32 to vector<16xi32>
        %add3A_587 = arith.addi %iota3A, %add3A_586 : vector<16xi32>
        tpu.vector_store_idx %arg10[%add3A_569], %add3A_587 masked %le3A_490 : memref<8192xi32, #tpu.memory_space<vmem>>[vector<16xi32>], vector<16xi32>, vector<16xi1>
        %select_n3A_588 = arith.select %le3A_490, %broadcast_in_dim3A_33, %broadcast_in_dim3A_31 : vector<16xi1>, vector<16xi32>
        %add3A_589 = arith.addi %add3A_569, %select_n3A_588 : vector<16xi32>
        %mul3A_590 = arith.constant 16 : i32
        %mul3A_591 = arith.muli %add3A_581, %mul3A_590 : i32
        %add3A_592 = arith.constant 4096 : i32
        %add3A_593 = arith.addi %mul3A_591, %add3A_592 : i32
        %add3A_594 = vector.broadcast %add3A_593 : i32 to vector<16xi32>
        %add3A_595 = arith.addi %iota3A, %add3A_594 : vector<16xi32>
        tpu.vector_store_idx %arg10[%add3A_577], %add3A_595 masked %le3A_491 : memref<8192xi32, #tpu.memory_space<vmem>>[vector<16xi32>], vector<16xi32>, vector<16xi1>
        %select_n3A_596 = arith.select %le3A_491, %broadcast_in_dim3A_33, %broadcast_in_dim3A_31 : vector<16xi1>, vector<16xi32>
        %add3A_597 = arith.addi %add3A_577, %select_n3A_596 : vector<16xi32>
        %mul3A_598 = arith.constant 8 : i32
        %mul3A_599 = arith.muli %mul3A_598, %scan3A_352 : i32
        %add3A_600 = arith.constant 5 : i32
        %add3A_601 = arith.addi %mul3A_599, %add3A_600 : i32
        %mul3A_602 = arith.constant 16 : i32
        %mul3A_603 = arith.muli %add3A_601, %mul3A_602 : i32
        %add3A_604 = arith.constant 0 : i32
        %add3A_605 = arith.addi %mul3A_603, %add3A_604 : i32
        %add3A_606 = vector.broadcast %add3A_605 : i32 to vector<16xi32>
        %add3A_607 = arith.addi %iota3A, %add3A_606 : vector<16xi32>
        tpu.vector_store_idx %arg10[%add3A_589], %add3A_607 masked %le3A_492 : memref<8192xi32, #tpu.memory_space<vmem>>[vector<16xi32>], vector<16xi32>, vector<16xi1>
        %select_n3A_608 = arith.select %le3A_492, %broadcast_in_dim3A_33, %broadcast_in_dim3A_31 : vector<16xi1>, vector<16xi32>
        %add3A_609 = arith.addi %add3A_589, %select_n3A_608 : vector<16xi32>
        %mul3A_610 = arith.constant 16 : i32
        %mul3A_611 = arith.muli %add3A_601, %mul3A_610 : i32
        %add3A_612 = arith.constant 4096 : i32
        %add3A_613 = arith.addi %mul3A_611, %add3A_612 : i32
        %add3A_614 = vector.broadcast %add3A_613 : i32 to vector<16xi32>
        %add3A_615 = arith.addi %iota3A, %add3A_614 : vector<16xi32>
        tpu.vector_store_idx %arg10[%add3A_597], %add3A_615 masked %le3A_493 : memref<8192xi32, #tpu.memory_space<vmem>>[vector<16xi32>], vector<16xi32>, vector<16xi1>
        %select_n3A_616 = arith.select %le3A_493, %broadcast_in_dim3A_33, %broadcast_in_dim3A_31 : vector<16xi1>, vector<16xi32>
        %add3A_617 = arith.addi %add3A_597, %select_n3A_616 : vector<16xi32>
        %mul3A_618 = arith.constant 8 : i32
        %mul3A_619 = arith.muli %mul3A_618, %scan3A_352 : i32
        %add3A_620 = arith.constant 6 : i32
        %add3A_621 = arith.addi %mul3A_619, %add3A_620 : i32
        %mul3A_622 = arith.constant 16 : i32
        %mul3A_623 = arith.muli %add3A_621, %mul3A_622 : i32
        %add3A_624 = arith.constant 0 : i32
        %add3A_625 = arith.addi %mul3A_623, %add3A_624 : i32
        %add3A_626 = vector.broadcast %add3A_625 : i32 to vector<16xi32>
        %add3A_627 = arith.addi %iota3A, %add3A_626 : vector<16xi32>
        tpu.vector_store_idx %arg10[%add3A_609], %add3A_627 masked %le3A_494 : memref<8192xi32, #tpu.memory_space<vmem>>[vector<16xi32>], vector<16xi32>, vector<16xi1>
        %select_n3A_628 = arith.select %le3A_494, %broadcast_in_dim3A_33, %broadcast_in_dim3A_31 : vector<16xi1>, vector<16xi32>
        %add3A_629 = arith.addi %add3A_609, %select_n3A_628 : vector<16xi32>
        %mul3A_630 = arith.constant 16 : i32
        %mul3A_631 = arith.muli %add3A_621, %mul3A_630 : i32
        %add3A_632 = arith.constant 4096 : i32
        %add3A_633 = arith.addi %mul3A_631, %add3A_632 : i32
        %add3A_634 = vector.broadcast %add3A_633 : i32 to vector<16xi32>
        %add3A_635 = arith.addi %iota3A, %add3A_634 : vector<16xi32>
        tpu.vector_store_idx %arg10[%add3A_617], %add3A_635 masked %le3A_495 : memref<8192xi32, #tpu.memory_space<vmem>>[vector<16xi32>], vector<16xi32>, vector<16xi1>
        %select_n3A_636 = arith.select %le3A_495, %broadcast_in_dim3A_33, %broadcast_in_dim3A_31 : vector<16xi1>, vector<16xi32>
        %add3A_637 = arith.addi %add3A_617, %select_n3A_636 : vector<16xi32>
        %mul3A_638 = arith.constant 8 : i32
        %mul3A_639 = arith.muli %mul3A_638, %scan3A_352 : i32
        %add3A_640 = arith.constant 7 : i32
        %add3A_641 = arith.addi %mul3A_639, %add3A_640 : i32
        %mul3A_642 = arith.constant 16 : i32
        %mul3A_643 = arith.muli %add3A_641, %mul3A_642 : i32
        %add3A_644 = arith.constant 0 : i32
        %add3A_645 = arith.addi %mul3A_643, %add3A_644 : i32
        %add3A_646 = vector.broadcast %add3A_645 : i32 to vector<16xi32>
        %add3A_647 = arith.addi %iota3A, %add3A_646 : vector<16xi32>
        tpu.vector_store_idx %arg10[%add3A_629], %add3A_647 masked %le3A_496 : memref<8192xi32, #tpu.memory_space<vmem>>[vector<16xi32>], vector<16xi32>, vector<16xi1>
        %select_n3A_648 = arith.select %le3A_496, %broadcast_in_dim3A_33, %broadcast_in_dim3A_31 : vector<16xi1>, vector<16xi32>
        %add3A_649 = arith.addi %add3A_629, %select_n3A_648 : vector<16xi32>
        %mul3A_650 = arith.constant 16 : i32
        %mul3A_651 = arith.muli %add3A_641, %mul3A_650 : i32
        %add3A_652 = arith.constant 4096 : i32
        %add3A_653 = arith.addi %mul3A_651, %add3A_652 : i32
        %add3A_654 = vector.broadcast %add3A_653 : i32 to vector<16xi32>
        %add3A_655 = arith.addi %iota3A, %add3A_654 : vector<16xi32>
        tpu.vector_store_idx %arg10[%add3A_637], %add3A_655 masked %le3A_497 : memref<8192xi32, #tpu.memory_space<vmem>>[vector<16xi32>], vector<16xi32>, vector<16xi1>
        %select_n3A_656 = arith.select %le3A_497, %broadcast_in_dim3A_33, %broadcast_in_dim3A_31 : vector<16xi1>, vector<16xi32>
        %add3A_657 = arith.addi %add3A_637, %select_n3A_656 : vector<16xi32>
        scf.yield %add3A_649, %add3A_657 : vector<16xi32>, vector<16xi32>
      }
      %scan3A_302 = arith.constant 32 : i32
      %sub3A_303 = arith.subi %scan3A_301#0, %add3A_293 : vector<16xi32>
      %sub3A_304 = arith.subi %scan3A_301#1, %add3A_296 : vector<16xi32>
      %max3A = arith.maxsi %sub3A_303, %sub3A_304 : vector<16xi32>
      %reduce_max3A = arith.constant true
      %reduce_max3A_305 = vector.broadcast %reduce_max3A : i1 to vector<16xi1>
      %reduce_max3A_306 = arith.constant -2147483648 : i32
      %reduce_max3A_307 = vector.broadcast %reduce_max3A_306 : i32 to vector<16xi32>
      %reduce_max3A_308 = arith.xori %max3A, %reduce_max3A_307 : vector<16xi32>
      %reduce_max3A_309 = tpu.scan <max>, %reduce_max3A_308 masked %reduce_max3A_305 : vector<16xi32>, vector<16xi1> -> vector<16xi32>
      %reduce_max3A_310 = arith.xori %reduce_max3A_309, %reduce_max3A_307 : vector<16xi32>
      %reduce_max3A_311 = vector.extract %reduce_max3A_310[15] : i32 from vector<16xi32>
      %while3A = arith.constant 0 : i32
      %while3A_312 = arith.subi %reduce_max3A_311, %while3A : i32
      %while3A_313 = arith.addi %while3A, %while3A_312 : i32
      %while3A_314 = arith.constant 1 : i32
      %while3A_315 = arith.divsi %while3A_312, %while3A_314 : i32
      %while3A_316 = arith.muli %while3A_315, %while3A_314 : i32
      %while3A_317 = arith.addi %while3A, %while3A_316 : i32
      %while3A_318 = arith.constant 1 : i32
      %while3A_319:4 = scf.for %while3A_352 = %while3A to %while3A_317 step %while3A_318 iter_args(%while3A_353 = %broadcast_in_dim3A_35, %while3A_354 = %broadcast_in_dim3A_31, %while3A_355 = %broadcast_in_dim3A_35, %while3A_356 = %broadcast_in_dim3A_31) -> (vector<16xf32>, vector<16xi32>, vector<16xf32>, vector<16xi32>)  : i32 {
        %gt3A = vector.broadcast %while3A_352 : i32 to vector<16xi32>
        %gt3A_357 = arith.cmpi sgt, %sub3A_303, %gt3A : vector<16xi32>
        %add3A_358 = arith.constant 0 : i32
        %add3A_359 = arith.addi %add3A_358, %while3A_352 : i32
        %add3A_360 = vector.broadcast %add3A_359 : i32 to vector<16xi32>
        %add3A_361 = arith.addi %mul3A_46, %add3A_360 : vector<16xi32>
        %gather3A_362 = tpu.vector_load_idx %arg10[%add3A_361] masked %gt3A_357 : memref<8192xi32, #tpu.memory_space<vmem>>[vector<16xi32>], vector<16xi32>, vector<16xi1>
        %gather3A_363 = tpu.vector_load_idx %arg9[%gather3A_362] masked %gt3A_357 : memref<8192xf32, #tpu.memory_space<vmem>>[vector<16xi32>], vector<16xf32>, vector<16xi1>
        %broadcast_in_dim3A_364 = vector.broadcast %scan3A_47 : f32 to vector<16xf32>
        %select_n3A_365 = arith.select %gt3A_357, %gather3A_363, %broadcast_in_dim3A_364 : vector<16xi1>, vector<16xf32>
        %masked_sort3A_366 = arith.constant dense<true> : vector<16xi1>
        %masked_sort3A_367, %masked_sort3A_368, %masked_sort3A_369 = tpu.sort %select_n3A_365, %gather3A_362 masked %masked_sort3A_366 : (vector<16xf32>, vector<16xi32>, vector<16xi1>) -> (vector<16xi1>, vector<16xf32>, vector<16xi32>)
        %rev3A = arith.constant 15 : i32
        %rev3A_370 = vector.broadcast %rev3A : i32 to vector<16xi32>
        %rev3A_371 = tpu.iota {dimensions = array<i32: 0>} : vector<16xi32>
        %rev3A_372 = arith.subi %rev3A_370, %rev3A_371 : vector<16xi32>
        %rev3A_373 = tpu.dynamic_gather %masked_sort3A_368[%rev3A_372] in [0] : vector<16xf32>, vector<16xi32> -> vector<16xf32>
        %rev3A_374 = arith.constant 15 : i32
        %rev3A_375 = vector.broadcast %rev3A_374 : i32 to vector<16xi32>
        %rev3A_376 = tpu.iota {dimensions = array<i32: 0>} : vector<16xi32>
        %rev3A_377 = arith.subi %rev3A_375, %rev3A_376 : vector<16xi32>
        %rev3A_378 = tpu.dynamic_gather %masked_sort3A_369[%rev3A_377] in [0] : vector<16xi32>, vector<16xi32> -> vector<16xi32>
        %le3A = arith.cmpf ole, %while3A_353, %rev3A_373 : vector<16xf32>
        %select_n3A_379 = arith.select %le3A, %while3A_353, %rev3A_373 : vector<16xi1>, vector<16xf32>
        %select_n3A_380 = arith.select %le3A, %while3A_354, %rev3A_378 : vector<16xi1>, vector<16xi32>
        %masked_sort3A_381 = arith.constant dense<true> : vector<16xi1>
        %masked_sort3A_382, %masked_sort3A_383, %masked_sort3A_384 = tpu.sort %select_n3A_379, %select_n3A_380 masked %masked_sort3A_381 : (vector<16xf32>, vector<16xi32>, vector<16xi1>) -> (vector<16xi1>, vector<16xf32>, vector<16xi32>)
        %gt3A_385 = vector.broadcast %while3A_352 : i32 to vector<16xi32>
        %gt3A_386 = arith.cmpi sgt, %sub3A_304, %gt3A_385 : vector<16xi32>
        %add3A_387 = arith.constant 4096 : i32
        %add3A_388 = arith.addi %add3A_387, %while3A_352 : i32
        %add3A_389 = vector.broadcast %add3A_388 : i32 to vector<16xi32>
        %add3A_390 = arith.addi %mul3A_46, %add3A_389 : vector<16xi32>
        %gather3A_391 = tpu.vector_load_idx %arg10[%add3A_390] masked %gt3A_386 : memref<8192xi32, #tpu.memory_space<vmem>>[vector<16xi32>], vector<16xi32>, vector<16xi1>
        %gather3A_392 = tpu.vector_load_idx %arg9[%gather3A_391] masked %gt3A_386 : memref<8192xf32, #tpu.memory_space<vmem>>[vector<16xi32>], vector<16xf32>, vector<16xi1>
        %broadcast_in_dim3A_393 = vector.broadcast %scan3A_47 : f32 to vector<16xf32>
        %select_n3A_394 = arith.select %gt3A_386, %gather3A_392, %broadcast_in_dim3A_393 : vector<16xi1>, vector<16xf32>
        %masked_sort3A_395 = arith.constant dense<true> : vector<16xi1>
        %masked_sort3A_396, %masked_sort3A_397, %masked_sort3A_398 = tpu.sort %select_n3A_394, %gather3A_391 masked %masked_sort3A_395 : (vector<16xf32>, vector<16xi32>, vector<16xi1>) -> (vector<16xi1>, vector<16xf32>, vector<16xi32>)
        %rev3A_399 = arith.constant 15 : i32
        %rev3A_400 = vector.broadcast %rev3A_399 : i32 to vector<16xi32>
        %rev3A_401 = tpu.iota {dimensions = array<i32: 0>} : vector<16xi32>
        %rev3A_402 = arith.subi %rev3A_400, %rev3A_401 : vector<16xi32>
        %rev3A_403 = tpu.dynamic_gather %masked_sort3A_397[%rev3A_402] in [0] : vector<16xf32>, vector<16xi32> -> vector<16xf32>
        %rev3A_404 = arith.constant 15 : i32
        %rev3A_405 = vector.broadcast %rev3A_404 : i32 to vector<16xi32>
        %rev3A_406 = tpu.iota {dimensions = array<i32: 0>} : vector<16xi32>
        %rev3A_407 = arith.subi %rev3A_405, %rev3A_406 : vector<16xi32>
        %rev3A_408 = tpu.dynamic_gather %masked_sort3A_398[%rev3A_407] in [0] : vector<16xi32>, vector<16xi32> -> vector<16xi32>
        %le3A_409 = arith.cmpf ole, %while3A_355, %rev3A_403 : vector<16xf32>
        %select_n3A_410 = arith.select %le3A_409, %while3A_355, %rev3A_403 : vector<16xi1>, vector<16xf32>
        %select_n3A_411 = arith.select %le3A_409, %while3A_356, %rev3A_408 : vector<16xi1>, vector<16xi32>
        %masked_sort3A_412 = arith.constant dense<true> : vector<16xi1>
        %masked_sort3A_413, %masked_sort3A_414, %masked_sort3A_415 = tpu.sort %select_n3A_410, %select_n3A_411 masked %masked_sort3A_412 : (vector<16xf32>, vector<16xi32>, vector<16xi1>) -> (vector<16xi1>, vector<16xf32>, vector<16xi32>)
        scf.yield %masked_sort3A_383, %masked_sort3A_384, %masked_sort3A_414, %masked_sort3A_415 : vector<16xf32>, vector<16xi32>, vector<16xf32>, vector<16xi32>
      }
      %while3A_320 = arith.constant 1 : i32
      %while3A_321:4 = scf.for %while3A_352 = %while3A_317 to %while3A_313 step %while3A_320 iter_args(%while3A_353 = %while3A_319#0, %while3A_354 = %while3A_319#1, %while3A_355 = %while3A_319#2, %while3A_356 = %while3A_319#3) -> (vector<16xf32>, vector<16xi32>, vector<16xf32>, vector<16xi32>)  : i32 {
        %gt3A = vector.broadcast %while3A_352 : i32 to vector<16xi32>
        %gt3A_357 = arith.cmpi sgt, %sub3A_303, %gt3A : vector<16xi32>
        %add3A_358 = arith.constant 0 : i32
        %add3A_359 = arith.addi %add3A_358, %while3A_352 : i32
        %add3A_360 = vector.broadcast %add3A_359 : i32 to vector<16xi32>
        %add3A_361 = arith.addi %mul3A_46, %add3A_360 : vector<16xi32>
        %gather3A_362 = tpu.vector_load_idx %arg10[%add3A_361] masked %gt3A_357 : memref<8192xi32, #tpu.memory_space<vmem>>[vector<16xi32>], vector<16xi32>, vector<16xi1>
        %gather3A_363 = tpu.vector_load_idx %arg9[%gather3A_362] masked %gt3A_357 : memref<8192xf32, #tpu.memory_space<vmem>>[vector<16xi32>], vector<16xf32>, vector<16xi1>
        %broadcast_in_dim3A_364 = vector.broadcast %scan3A_47 : f32 to vector<16xf32>
        %select_n3A_365 = arith.select %gt3A_357, %gather3A_363, %broadcast_in_dim3A_364 : vector<16xi1>, vector<16xf32>
        %masked_sort3A_366 = arith.constant dense<true> : vector<16xi1>
        %masked_sort3A_367, %masked_sort3A_368, %masked_sort3A_369 = tpu.sort %select_n3A_365, %gather3A_362 masked %masked_sort3A_366 : (vector<16xf32>, vector<16xi32>, vector<16xi1>) -> (vector<16xi1>, vector<16xf32>, vector<16xi32>)
        %rev3A = arith.constant 15 : i32
        %rev3A_370 = vector.broadcast %rev3A : i32 to vector<16xi32>
        %rev3A_371 = tpu.iota {dimensions = array<i32: 0>} : vector<16xi32>
        %rev3A_372 = arith.subi %rev3A_370, %rev3A_371 : vector<16xi32>
        %rev3A_373 = tpu.dynamic_gather %masked_sort3A_368[%rev3A_372] in [0] : vector<16xf32>, vector<16xi32> -> vector<16xf32>
        %rev3A_374 = arith.constant 15 : i32
        %rev3A_375 = vector.broadcast %rev3A_374 : i32 to vector<16xi32>
        %rev3A_376 = tpu.iota {dimensions = array<i32: 0>} : vector<16xi32>
        %rev3A_377 = arith.subi %rev3A_375, %rev3A_376 : vector<16xi32>
        %rev3A_378 = tpu.dynamic_gather %masked_sort3A_369[%rev3A_377] in [0] : vector<16xi32>, vector<16xi32> -> vector<16xi32>
        %le3A = arith.cmpf ole, %while3A_353, %rev3A_373 : vector<16xf32>
        %select_n3A_379 = arith.select %le3A, %while3A_353, %rev3A_373 : vector<16xi1>, vector<16xf32>
        %select_n3A_380 = arith.select %le3A, %while3A_354, %rev3A_378 : vector<16xi1>, vector<16xi32>
        %masked_sort3A_381 = arith.constant dense<true> : vector<16xi1>
        %masked_sort3A_382, %masked_sort3A_383, %masked_sort3A_384 = tpu.sort %select_n3A_379, %select_n3A_380 masked %masked_sort3A_381 : (vector<16xf32>, vector<16xi32>, vector<16xi1>) -> (vector<16xi1>, vector<16xf32>, vector<16xi32>)
        %gt3A_385 = vector.broadcast %while3A_352 : i32 to vector<16xi32>
        %gt3A_386 = arith.cmpi sgt, %sub3A_304, %gt3A_385 : vector<16xi32>
        %add3A_387 = arith.constant 4096 : i32
        %add3A_388 = arith.addi %add3A_387, %while3A_352 : i32
        %add3A_389 = vector.broadcast %add3A_388 : i32 to vector<16xi32>
        %add3A_390 = arith.addi %mul3A_46, %add3A_389 : vector<16xi32>
        %gather3A_391 = tpu.vector_load_idx %arg10[%add3A_390] masked %gt3A_386 : memref<8192xi32, #tpu.memory_space<vmem>>[vector<16xi32>], vector<16xi32>, vector<16xi1>
        %gather3A_392 = tpu.vector_load_idx %arg9[%gather3A_391] masked %gt3A_386 : memref<8192xf32, #tpu.memory_space<vmem>>[vector<16xi32>], vector<16xf32>, vector<16xi1>
        %broadcast_in_dim3A_393 = vector.broadcast %scan3A_47 : f32 to vector<16xf32>
        %select_n3A_394 = arith.select %gt3A_386, %gather3A_392, %broadcast_in_dim3A_393 : vector<16xi1>, vector<16xf32>
        %masked_sort3A_395 = arith.constant dense<true> : vector<16xi1>
        %masked_sort3A_396, %masked_sort3A_397, %masked_sort3A_398 = tpu.sort %select_n3A_394, %gather3A_391 masked %masked_sort3A_395 : (vector<16xf32>, vector<16xi32>, vector<16xi1>) -> (vector<16xi1>, vector<16xf32>, vector<16xi32>)
        %rev3A_399 = arith.constant 15 : i32
        %rev3A_400 = vector.broadcast %rev3A_399 : i32 to vector<16xi32>
        %rev3A_401 = tpu.iota {dimensions = array<i32: 0>} : vector<16xi32>
        %rev3A_402 = arith.subi %rev3A_400, %rev3A_401 : vector<16xi32>
        %rev3A_403 = tpu.dynamic_gather %masked_sort3A_397[%rev3A_402] in [0] : vector<16xf32>, vector<16xi32> -> vector<16xf32>
        %rev3A_404 = arith.constant 15 : i32
        %rev3A_405 = vector.broadcast %rev3A_404 : i32 to vector<16xi32>
        %rev3A_406 = tpu.iota {dimensions = array<i32: 0>} : vector<16xi32>
        %rev3A_407 = arith.subi %rev3A_405, %rev3A_406 : vector<16xi32>
        %rev3A_408 = tpu.dynamic_gather %masked_sort3A_398[%rev3A_407] in [0] : vector<16xi32>, vector<16xi32> -> vector<16xi32>
        %le3A_409 = arith.cmpf ole, %while3A_355, %rev3A_403 : vector<16xf32>
        %select_n3A_410 = arith.select %le3A_409, %while3A_355, %rev3A_403 : vector<16xi1>, vector<16xf32>
        %select_n3A_411 = arith.select %le3A_409, %while3A_356, %rev3A_408 : vector<16xi1>, vector<16xi32>
        %masked_sort3A_412 = arith.constant dense<true> : vector<16xi1>
        %masked_sort3A_413, %masked_sort3A_414, %masked_sort3A_415 = tpu.sort %select_n3A_410, %select_n3A_411 masked %masked_sort3A_412 : (vector<16xf32>, vector<16xi32>, vector<16xi1>) -> (vector<16xi1>, vector<16xf32>, vector<16xi32>)
        scf.yield %masked_sort3A_383, %masked_sort3A_384, %masked_sort3A_414, %masked_sort3A_415 : vector<16xf32>, vector<16xi32>, vector<16xf32>, vector<16xi32>
      }
      %add3A_322 = arith.constant 0 : i32
      %add3A_323 = arith.addi %mul3A_66, %add3A_322 : i32
      %mul3A_324 = arith.constant 16 : i32
      %mul3A_325 = arith.muli %add3A_323, %mul3A_324 : i32
      %swap3A = arith.index_cast %mul3A_325 : i32 to index
      %swap3A_326 = tpu.vector_load %arg11[%swap3A] {strides = array<i32>} : memref<32768xf32, #tpu.memory_space<vmem>>, vector<16xf32>,
      tpu.vector_store %arg11[%swap3A], %while3A_321#0 {strides = array<i32>} : memref<32768xf32, #tpu.memory_space<vmem>>, vector<16xf32>,
      %sub3A_327 = arith.constant 0 : i32
      %sub3A_328 = vector.broadcast %sub3A_327 : i32 to vector<16xi32>
      %sub3A_329 = arith.subi %while3A_321#1, %sub3A_328 : vector<16xi32>
      %add3A_330 = arith.constant 0 : i32
      %add3A_331 = arith.addi %mul3A_66, %add3A_330 : i32
      %mul3A_332 = arith.constant 16 : i32
      %mul3A_333 = arith.muli %add3A_331, %mul3A_332 : i32
      %swap3A_334 = arith.index_cast %mul3A_333 : i32 to index
      %swap3A_335 = tpu.vector_load %arg12[%swap3A_334] {strides = array<i32>} : memref<32768xi32, #tpu.memory_space<vmem>>, vector<16xi32>,
      tpu.vector_store %arg12[%swap3A_334], %sub3A_329 {strides = array<i32>} : memref<32768xi32, #tpu.memory_space<vmem>>, vector<16xi32>,
      %add3A_336 = arith.constant 1 : i32
      %add3A_337 = arith.addi %mul3A_66, %add3A_336 : i32
      %mul3A_338 = arith.constant 16 : i32
      %mul3A_339 = arith.muli %add3A_337, %mul3A_338 : i32
      %swap3A_340 = arith.index_cast %mul3A_339 : i32 to index
      %swap3A_341 = tpu.vector_load %arg11[%swap3A_340] {strides = array<i32>} : memref<32768xf32, #tpu.memory_space<vmem>>, vector<16xf32>,
      tpu.vector_store %arg11[%swap3A_340], %while3A_321#2 {strides = array<i32>} : memref<32768xf32, #tpu.memory_space<vmem>>, vector<16xf32>,
      %sub3A_342 = arith.constant 4096 : i32
      %sub3A_343 = vector.broadcast %sub3A_342 : i32 to vector<16xi32>
      %sub3A_344 = arith.subi %while3A_321#3, %sub3A_343 : vector<16xi32>
      %add3A_345 = arith.constant 1 : i32
      %add3A_346 = arith.addi %mul3A_66, %add3A_345 : i32
      %mul3A_347 = arith.constant 16 : i32
      %mul3A_348 = arith.muli %add3A_346, %mul3A_347 : i32
      %swap3A_349 = arith.index_cast %mul3A_348 : i32 to index
      %swap3A_350 = tpu.vector_load %arg12[%swap3A_349] {strides = array<i32>} : memref<32768xi32, #tpu.memory_space<vmem>>, vector<16xi32>,
      tpu.vector_store %arg12[%swap3A_349], %sub3A_344 {strides = array<i32>} : memref<32768xi32, #tpu.memory_space<vmem>>, vector<16xi32>,
      %scan3A_351 = arith.constant 0 : i32
      scf.yield %scan3A_351 : i32
    }
    %scan3A_54 = arith.constant 1024 : i32
    %mul3A_55 = arith.constant 2048 : i32
    %mul3A_56 = arith.muli %select_n3A_30, %mul3A_55 : i32
    %mul3A_57 = arith.constant 16 : i32
    %mul3A_58 = arith.muli %mul3A_56, %mul3A_57 : i32
    "tpu.region"() ({
      %run_scoped3A = tpu.sem_alloc : memref<!tpu.dma_semaphore, #tpu.memory_space<semaphore_mem>>
      %dma_start3A = tpu.memref_slice %arg5[%select_n3A, %mul3A_58] : memref<16x65536xf32, #tpu.memory_space<hbm>> -> memref<1x32768xf32, #tpu.memory_space<hbm>>
      %dma_start3A_63 = tpu.memref_squeeze %dma_start3A : memref<1x32768xf32, #tpu.memory_space<hbm>> -> memref<32768xf32, #tpu.memory_space<hbm>>
      %dma_start3A_64 = tpu.memref_slice %arg5[%select_n3A, %mul3A_58] : memref<16x65536xf32, #tpu.memory_space<hbm>> -> memref<1x32768xf32, #tpu.memory_space<hbm>>
      %dma_start3A_65 = tpu.memref_squeeze %dma_start3A_64 : memref<1x32768xf32, #tpu.memory_space<hbm>> -> memref<32768xf32, #tpu.memory_space<hbm>>
      tpu.enqueue_dma source(%arg11 : memref<32768xf32, #tpu.memory_space<vmem>>) target(%dma_start3A_65 : memref<32768xf32, #tpu.memory_space<hbm>>) target_semaphore(%run_scoped3A : memref<!tpu.dma_semaphore, #tpu.memory_space<semaphore_mem>>)
      %dma_wait3A = tpu.memref_slice %arg5[%select_n3A, %mul3A_58] : memref<16x65536xf32, #tpu.memory_space<hbm>> -> memref<1x32768xf32, #tpu.memory_space<hbm>>
      %dma_wait3A_66 = tpu.memref_squeeze %dma_wait3A : memref<1x32768xf32, #tpu.memory_space<hbm>> -> memref<32768xf32, #tpu.memory_space<hbm>>
      %dma_wait3A_67 = tpu.memref_slice %arg5[%select_n3A, %mul3A_58] : memref<16x65536xf32, #tpu.memory_space<hbm>> -> memref<1x32768xf32, #tpu.memory_space<hbm>>
      %dma_wait3A_68 = tpu.memref_squeeze %dma_wait3A_67 : memref<1x32768xf32, #tpu.memory_space<hbm>> -> memref<32768xf32, #tpu.memory_space<hbm>>
      tpu.wait_dma2 semaphore(%run_scoped3A : memref<!tpu.dma_semaphore, #tpu.memory_space<semaphore_mem>>) src(%arg11 : memref<32768xf32, #tpu.memory_space<vmem>>) dst(%dma_wait3A_68 : memref<32768xf32, #tpu.memory_space<hbm>>)
      tpu.yield
    }) : () -> ()
    %mul3A_59 = arith.constant 2048 : i32
    %mul3A_60 = arith.muli %select_n3A_30, %mul3A_59 : i32
    %mul3A_61 = arith.constant 16 : i32
    %mul3A_62 = arith.muli %mul3A_60, %mul3A_61 : i32
    "tpu.region"() ({
      %run_scoped3A = tpu.sem_alloc : memref<!tpu.dma_semaphore, #tpu.memory_space<semaphore_mem>>
      %dma_start3A = tpu.memref_slice %arg4[%select_n3A, %mul3A_62] : memref<16x65536xi32, #tpu.memory_space<hbm>> -> memref<1x32768xi32, #tpu.memory_space<hbm>>
      %dma_start3A_63 = tpu.memref_squeeze %dma_start3A : memref<1x32768xi32, #tpu.memory_space<hbm>> -> memref<32768xi32, #tpu.memory_space<hbm>>
      %dma_start3A_64 = tpu.memref_slice %arg4[%select_n3A, %mul3A_62] : memref<16x65536xi32, #tpu.memory_space<hbm>> -> memref<1x32768xi32, #tpu.memory_space<hbm>>
      %dma_start3A_65 = tpu.memref_squeeze %dma_start3A_64 : memref<1x32768xi32, #tpu.memory_space<hbm>> -> memref<32768xi32, #tpu.memory_space<hbm>>
      tpu.enqueue_dma source(%arg12 : memref<32768xi32, #tpu.memory_space<vmem>>) target(%dma_start3A_65 : memref<32768xi32, #tpu.memory_space<hbm>>) target_semaphore(%run_scoped3A : memref<!tpu.dma_semaphore, #tpu.memory_space<semaphore_mem>>)
      %dma_wait3A = tpu.memref_slice %arg4[%select_n3A, %mul3A_62] : memref<16x65536xi32, #tpu.memory_space<hbm>> -> memref<1x32768xi32, #tpu.memory_space<hbm>>
      %dma_wait3A_66 = tpu.memref_squeeze %dma_wait3A : memref<1x32768xi32, #tpu.memory_space<hbm>> -> memref<32768xi32, #tpu.memory_space<hbm>>
      %dma_wait3A_67 = tpu.memref_slice %arg4[%select_n3A, %mul3A_62] : memref<16x65536xi32, #tpu.memory_space<hbm>> -> memref<1x32768xi32, #tpu.memory_space<hbm>>
      %dma_wait3A_68 = tpu.memref_squeeze %dma_wait3A_67 : memref<1x32768xi32, #tpu.memory_space<hbm>> -> memref<32768xi32, #tpu.memory_space<hbm>>
      tpu.wait_dma2 semaphore(%run_scoped3A : memref<!tpu.dma_semaphore, #tpu.memory_space<semaphore_mem>>) src(%arg12 : memref<32768xi32, #tpu.memory_space<vmem>>) dst(%dma_wait3A_68 : memref<32768xi32, #tpu.memory_space<hbm>>)
      tpu.yield
    }) : () -> ()
    return
  }
}

</mosaic_0001>

<sc_bundles>
// kernel: _knn.3.cloned.1.call-start
scs
__scs_entry_jumppad:
0x0: {  	(pc) =	sbr.rel $0x88, $3  }
0x1: {  	(tag) =	ssettag $0x0;
	lr =	simm.s32 $0x1  }
0x2: {  	[smem:$0x3F9F] =	sst lr;
	_ =	strace $0xD0000000  }
0x3: {  	_ = 	snop  }
0x4: {  	_ = 	snop  }
0x5: {  	_ = 	snop  }
0x6: {  	_ = 	snop  }
0x7: {  	_ = 	snop  }
__scs_overlays_trampoline_lowered:
0x8: {  	[smem:$0x3FAE] =	sst s0  }
0x9: {  	[smem:$0x3FAF] =	sst s1  }
0xa: {  	[smem:$0x3FB0] =	sst s2  }
0xb: {  	[smem:$0x3FB1] =	sst s3  }
0xc: {  	[smem:$0x3FB2] =	sst s4  }
0xd: {  	[smem:$0x3FB3] =	sst s5  }
0xe: {  	[smem:$0x3FB4] =	sst s6  }
0xf: {  	[smem:$0x3FB5] =	sst s7  }
0x10: {  	[smem:$0x3FB6] =	sst s8  }
0x11: {  	[smem:$0x3FB7] =	sst s9;
	s0 =	simm.s32 @!p0 $0x0  }
0x12: {  	s1 =	sld [smem:$0x3F9D];
	s0 =	simm.s32 @p0 $0x1  }
0x13: {  	[smem:$0x3FB8] =	sst s0;
	s0 =	simm.s32 @!p1 $0x0  }
0x14: {  	s2 =	sld [smem:$0x3F9C];
	s0 =	simm.s32 @p1 $0x1  }
0x15: {  	[smem:$0x3FB9] =	sst s0;
	s0 =	simm.s32 @!p2 $0x0  }
0x16: {  	s3 =	sld [smem:$0x3FDB];
	s0 =	simm.s32 @p2 $0x1  }
0x17: {  	s4 =	simm.s32 $0x1BF5;
	[smem:$0x3FBB] =	sst s0  }
0x18: {  	s0 =	sld [smem:$0x3F9E];
	_ =	swait.ge [sflag:s4], $0x0  }
0x19: {  	s7 =	sld [smem:$0x3F9F]  }
0x1a: {  	s8 =	sadd.s32 $0xFFFFE003, lr  }
0x1b: {  	s9 =	sadd.s32 $0xFFFFFEF7, lr;
	s5 =	simm.s32 $0xFFFFFFFF;
	p2 =	slt.u32 s8, $0xFFFFF086  }
0x1c: {  	p1 =	slt.u32 s9, $0xF7A;
	s5 =	simm.s32 @!p2 $0x0  }
0x1d: {  	s5 =	simm.s32 @p1 $0x1;
	p0 =	seq.s32 s7, s2  }
0x1e: {  	s7 =	smul.u32 @!p0 $0xF7A, s2;
	p2 =	seq.s32 @!p0 s5, $0x0  }
0x1f: {  	s9 =	smul.u32 $0xF7A, s1;
	s8 =	simm.s32 @!p0 $0x1BF5;
	p2 =	por !p2, p0  }
0x20: {  	[sflag:s8] =	ssyncset.s32 @!p0 $0xFFFFF086;
	s6 =	sadd.s32 @!p0 s3, s7;
	s7 =	simm.s32 @!p0 $0x108  }
0x21: {  	s3 =	sadd.s32 s3, s9;
	s6 =	sadd.s32 @!p0 $0x88, s6;
	s7 =	simm.s32 @p2 $0x1082  }
0x22: {  	[simem:s7], [sflag:s8] =	dma.local @!p0 [hbm:s6], $0xF7A  }
0x23: {  	s9 =	sor.u32 $0xD0000000, s2;
	s6 =	simm.s32 $0x108;
	_ =	swait.ge @!p0 [sflag:s8], $0x0  }
0x24: {  	s3 =	sadd.s32 $0x88, s3;
	s6 =	simm.s32 @!p1 $0x1082;
	[sflag:s4] =	ssyncset.s32 $0xFFFFF086  }
0x25: {  	[simem:s6], [sflag:s4] =	dma.local [hbm:s3], $0xF7A  }
0x26: {  	[smem:$0x3F9F] =	sst s1;
	(tag) =	ssettag s2;
	_ =	strace s9  }
0x27: {  	s1 =	sld [smem:$0x3FAF]  }
0x28: {  	s2 =	sld [smem:$0x3FB0]  }
0x29: {  	s4 =	sld [smem:$0x3FB2]  }
0x2a: {  	p0 =	seq.s32 s5, $0x0;
	s5 =	sld [smem:$0x3FB3]  }
0x2b: {  	s6 =	sld [smem:$0x3FB4]  }
0x2c: {  	s7 =	sld [smem:$0x3FB5]  }
0x2d: {  	s3 =	simm.s32 $0x108;
	s8 =	sld [smem:$0x3FB6]  }
0x2e: {  	s3 =	simm.s32 @!p0 $0x1082;
	s9 =	sld [smem:$0x3FB7]  }
0x2f: {  	lr =	sadd.s32 s0, s3;
	s0 =	sld [smem:$0x3FAE]  }
0x30: {  	s3 =	sld [smem:$0x3FB1]  }
0x31: {  	[smem:$0x3FBA] =	sst s10  }
0x32: {  	s10 =	sld [smem:$0x3FB8];
	_ =	sdelay $0x3  }
0x33: {  	p0 =	seq.s32 s10, $0x1;
	s10 =	sld [smem:$0x3FBA];
	_ =	sdelay $0x3  }
0x34: {  	[smem:$0x3FBA] =	sst s10  }
0x35: {  	s10 =	sld [smem:$0x3FB9];
	_ =	sdelay $0x3  }
0x36: {  	p1 =	seq.s32 s10, $0x1;
	s10 =	sld [smem:$0x3FBA];
	_ =	sdelay $0x3  }
0x37: {  	[smem:$0x3FBA] =	sst s10  }
0x38: {  	s10 =	sld [smem:$0x3FBB]  }
0x39: {  	_ = 	snop;
	(pc) =	sbr.ind lr, $3  }
0x3a: {  	_ = 	snop  }
0x3b: {  	_ = 	snop  }
0x3c: {  	p2 =	seq.s32 s10, $0x1;
	s10 =	sld [smem:$0x3FBA]  }
0x3d: {  	_ =	shalt  }
0x3e: {  	_ =	shalt  }
0x3f: {  	_ =	shalt  }
0x40: {  	_ =	shalt  }
0x41: {  	_ =	shalt  }
0x42: {  	_ =	shalt  }
0x43: {  	_ =	shalt  }
0x44: {  	_ =	shalt  }
0x45: {  	_ =	shalt  }
0x46: {  	_ =	shalt  }
0x47: {  	_ =	shalt  }
0x48: {  	_ =	shalt  }
0x49: {  	_ =	shalt  }
0x4a: {  	_ =	shalt  }
0x4b: {  	_ =	shalt  }
0x4c: {  	_ =	shalt  }
0x4d: {  	_ =	shalt  }
0x4e: {  	_ =	shalt  }
0x4f: {  	_ =	shalt  }
0x50: {  	_ =	shalt  }
0x51: {  	_ =	shalt  }
0x52: {  	_ =	shalt  }
0x53: {  	_ =	shalt  }
0x54: {  	_ =	shalt  }
0x55: {  	_ =	shalt  }
0x56: {  	_ =	shalt  }
0x57: {  	_ =	shalt  }
0x58: {  	_ =	shalt  }
0x59: {  	_ =	shalt  }
0x5a: {  	_ =	shalt  }
0x5b: {  	_ =	shalt  }
0x5c: {  	_ =	shalt  }
0x5d: {  	_ =	shalt  }
0x5e: {  	_ =	shalt  }
0x5f: {  	_ =	shalt  }
0x60: {  	_ =	shalt  }
0x61: {  	_ =	shalt  }
0x62: {  	_ =	shalt  }
0x63: {  	_ =	shalt  }
0x64: {  	_ =	shalt  }
0x65: {  	_ =	shalt  }
0x66: {  	_ =	shalt  }
0x67: {  	_ =	shalt  }
0x68: {  	_ =	shalt  }
0x69: {  	_ =	shalt  }
0x6a: {  	_ =	shalt  }
0x6b: {  	_ =	shalt  }
0x6c: {  	_ =	shalt  }
0x6d: {  	_ =	shalt  }
0x6e: {  	_ =	shalt  }
0x6f: {  	_ =	shalt  }
0x70: {  	_ =	shalt  }
0x71: {  	_ =	shalt  }
0x72: {  	_ =	shalt  }
0x73: {  	_ =	shalt  }
0x74: {  	_ =	shalt  }
0x75: {  	_ =	shalt  }
0x76: {  	_ =	shalt  }
0x77: {  	_ =	shalt  }
0x78: {  	_ =	shalt  }
0x79: {  	_ =	shalt  }
0x7a: {  	_ =	shalt  }
0x7b: {  	_ =	shalt  }
0x7c: {  	_ =	shalt  }
0x7d: {  	_ =	shalt  }
0x7e: {  	_ =	shalt  }
0x7f: {  	_ =	shalt  }
0x80: {  	_ =	shalt  }
0x81: {  	_ =	shalt  }
0x82: {  	_ =	shalt  }
0x83: {  	_ =	shalt  }
0x84: {  	_ =	shalt  }
0x85: {  	_ =	shalt  }
0x86: {  	_ =	shalt  }
0x87: {  	_ =	shalt  }
.Lfunc_end0:
.L_simem_size_0:
called_computation_lowered:
.L_overlay_start_0:
0x88: {  	s2 =	sld [smem:$0x3FD9]  }
0x89: {  	s3 =	sld [smem:$0x3FFE];
	_ =	sdelay $0x1  }
0x8a: {  	s1 =	srdreg.scid  }
0x8b: {  	s0 =	sand.u32 $0x1, s1  }
0x8c: {  	s15 =	sshll.u32 s0, $0xA;
	s2 =	sadd.s32 s3, s2  }
0x8d: {  	s2 =	sadd.s32 s2, s15  }
0x8e: {  	[smem:$0x3FC6] =	sst s2  }
0x8f: {  	_ = 	snop  }
0x90: {  	s2 =	sld [smem:$0x3FD0];
	_ =	sdelay $0x1  }
0x91: {  	s16 =	sld [smem:$0x3FC9]  }
0x92: {  	s5 =	simm.s32 $0xA;
	s6 =	simm.s32 $0x10;
	s4 =	sld [smem:$0x3FC8]  }
0x93: {  	[smem:s6], [sflag:s5] =	dma.local [hbm:s2], $0x1  }
0x94: {  	_ =	swait.eq [sflag:s5], $0x1  }
0x95: {  	[sflag:s5] =	ssyncset.done $0x0  }
0x96: {  	s17 =	sld [smem:$0x10];
	[sflag:s5] =	ssyncadd.s32 $0xFFFFFFFF  }
0x97: {  	s18 =	sld [smem:$0x11];
	(tm) =	ssettm $0x1  }
0x98: {  	s19 =	sld [smem:$0x3FFB];
	_ =	sdelay $0x3  }
0x99: {  	_ =	strace s19  }
0x9a: {  	s6 =	sld [smem:$0x3FFC];
	_ =	sdelay $0x3  }
0x9b: {  	_ =	strace s6  }
0x9c: {  	s6 =	sld [smem:$0x3FFD];
	_ =	sdelay $0x3  }
0x9d: {  	_ =	strace s6  }
0x9e: {  	_ =	strace $0x8FFFFFFF  }
0x9f: {  	s20 =	sld [smem:$0x3FDB];
	_ =	sdelay $0x1  }
0xa0: {  	s7 =	simm.s32 $_scs_section_size  }
0xa1: {  	s8 =	simm.s32 $_size__tile_overlayer_lowered;
	s9 =	simm.s32 $_tile_overlayer_lowered  }
0xa2: {  	s23 =	simm.s32 $0x1BFF;
	s22 =	sshll.u32 s9, $0x1;
	s6 =	sadd.s32 s7, s20  }
0xa3: {  	s10 =	simm.s32 $0x0;
	s21 =	sshll.u32 s8, $0x1;
	s8 =	sadd.s32 s22, s6  }
0xa4: {  	[timem:s10], [sflag:s23] =	dma.local [hbm:s8], s21  }
0xa5: {  	_ =	swait.ge [sflag:s23], s21  }
0xa6: {  	s7 =	ssub.s32 $0x0, s21;
	[sflag:s23] =	ssyncset.done $0x0  }
0xa7: {  	[sflag:s23] =	ssyncadd.s32 s7;
	_ =	sdelay $0x1  }
0xa8: {  	s24 =	simm.s32 $0x1B8B  }
0xa9: {  	_ =	swait.ge [sflag:s24], $0x1  }
0xaa: {  	[sflag:s24] =	ssyncset.done $0x0  }
0xab: {  	s25 =	simm.s32 $0x1B8E;
	[sflag:s24] =	ssyncadd.s32 $0xFFFFFFFF  }
0xac: {  	s26 =	simm.s32 $execute0_lowered;
	[smem:$0x3FD2] =	sst s25  }
0xad: {  	s7 =	sshll.u32 s26, $0x1;
	_ =	strace $0x80000046;
	[dreg:$0x1] =	wrdreg $0xFFFFFFFF  }
0xae: {  	s28 =	simm.s32 $_size_execute0_lowered;
	s6 =	sadd.s32 s6, s7;
	[dreg:$0x0] =	wrdreg $0x0  }
0xaf: {  	s7 =	sshll.u32 s28, $0x1;
	[dreg:$0x2] =	wrdreg s6  }
0xb0: {  	[dreg:$0x3] =	wrdreg s7  }
0xb1: {  	[dreg:$0x4] =	wrdreg $0xC0  }
0xb2: {  	_ =	task [dreg:s10], $0x5FFFF  }
0xb3: {  	[dreg:$0x1] =	wrdreg $0xFFFFFFFF  }
0xb4: {  	[dreg:$0x0] =	wrdreg $0x60  }
0xb5: {  	[dreg:$0x2] =	wrdreg s16  }
0xb6: {  	[dreg:$0x3] =	wrdreg s4  }
0xb7: {  	[dreg:$0x4] =	wrdreg s17  }
0xb8: {  	[dreg:$0x5] =	wrdreg s18  }
0xb9: {  	[dreg:$0x6] =	wrdreg $0x9  }
0xba: {  	_ =	task.clear_ibuf [dreg:s10], $0x7FFFF;
	_ =	strace $0x90000046  }
0xbb: {  	s29 =	simm.s32 $0x9;
	_ =	strace $0x80000048  }
0xbc: {  	_ =	swait.ge [sflag:s29], $0x1  }
0xbd: {  	[sflag:s29] =	ssyncadd.s32 $0xFFFFFFFF  }
0xbe: {  	_ =	strace $0x90000048  }
0xbf: {  	_ =	sfence  }
0xc0: {  	s30 =	sld [smem:$0x0];
	_ =	sdelay $0x2  }
0xc1: {  	s31 =	sshll.u32 s1, $0xD;
	s1 =	sshrl.u32 s1, $0x2  }
0xc2: {  	s3 =	sand.u32 $0x4000, s31;
	s1 =	sadd.s32 s1, s30  }
0xc3: {  	s0 =	sor.u32 s3, s0;
	s1 =	sshll.u32 s1, $0x11  }
0xc4: {  	s0 =	sor.u32 s1, s0  }
0xc5: {  	s0 =	sadd.s32 $0x8F2B, s0  }
0xc6: {  	[sflag:s0] =	ssyncadd.remote.s32 $0x1  }
0xc7: {  	_ =	sfence.sel $0xFFFF  }
0xc8: {  	[dreg:$0x0] =	wrdreg $0xFFFFFFFF;
	(pc) =	sbr.abs _section_cstart, $3  }
0xc9: {  	[dreg:$0x1] =	wrdreg $0xFFFFFFFF  }
0xca: {  	_ =	task.clear_ibuf [dreg:s10], $0x2FFFF;
	_ =	strace $0x9FFFFFFF  }
0xcb: {  	(tm) =	ssettm $0x7FFFFFFF  }
tec
execute0_lowered:
.L_overlay_start_1:
0x0: {  	(tag) =	ssettag $0x1  }
0x1: {  	s5 =	rddreg [dreg:$0x0]  }
0x2: {  	s1 =	srdreg.scid;
	s4 =	rddreg [dreg:$0x1]  }
0x3: {  	s0 =	stileid.u32;
	s8 =	rddreg [dreg:$0x2]  }
0x4: {  	s3 =	simm.s32 $0x1;
	s7 =	rddreg [dreg:$0x3];
	s6 =	sand.u32 $0x1, s1  }
0x5: {  	s2 =	simm.s32 $0x0;
	s14 =	simm.s32 $0x7000;
	s1 =	sor.u32 s6, s0  }
0x6: {  	s15 =	simm.s32 $0xB000;
	p1 =	seq.s32 s6, $0x1;
	p0 =	seq.s32 s1, $0x0  }
0x7: {  	s16 =	simm.s32 $0x13000;
	s17 =	simm.s32 $0x0;
	p0 =	por !p0, !p1  }
0x8: {  	[smem:$0x7FF] =	sst s2;
	s10 =	ssub.s32 $0x2, s6;
	p0 =	por !p0, !p0  }
0x9: {  	s30 =	sshll.u32 s6, $0x12;
	s6 =	sshll.u32 s6, $0xB;
	s3 =	simm.s32 @!p0 $0x0  }
0xa: {  	s1 =	rddreg [dreg:$0x4];
	_ =	strace $0x80000047;
	s3 =	ssub.s32 s0, s3  }
0xb: {  	s12 =	sshrl.u32 s10, $0x1;
	s6 =	sor.u32 $0x3000, s6;
	s9 =	sshrl.u32 s3, $0x3  }
0xc: {  	s10 =	ssub.s32 s10, s12;
	s3 =	sshll.u32 s3, $0x7;
	s11 =	smul.u32 $0x18000, s9  }
0xd: {  	s12 =	simm.s32 $0x3000;
	s13 =	sand.u32 $0x380, s3;
	s9 =	sshll.u32 s9, $0x13  }
.Ltmp0:
0xe: {  	s9 =	sor.u32 s30, s9;
	s3 =	sor.u32 s13, s11;
	(pc) =	sbr.rel .LBB2_1-.Ltmp0, $4  }
0xf: {  	s9 =	sor.u32 s13, s9;
	s11 =	simm.s32 $0x400;
	s13 =	simm.s32 $0x9000  }
0x10: {  	s31 =	sshrl.u32 s3, $0x3;
	s3 =	simm.s32 $0x1;
	s9 =	sshrl.u32 s9, $0x3  }
0x11: {  	s4 =	sadd.s32 s4, s31;
	s5 =	sadd.s32 s5, s31;
	s7 =	sadd.s32 s7, s9  }
0x12: {  	v0 =	vlaneseq.u32;
	v1 =	vimm.s32 $0xF;
	v2 =	vimm.s32 $0x0;
	s8 =	sadd.s32 s8, s9;
	s9 =	smax.u32 s10, $0x1;
	s10 =	simm.s32 $0x80  }
.LBB2_18:
0x13: {  	[hbm4b:s7+s10] =	stream.strided.scatter [tilespmem:s15], [sflag:$0x1], $0x8000, s11, s10, $0x38;
	[tilespmem:$0x1B000] =	vst v63  }
0x14: {  	s17 =	sadd.s32 $0x1, s17;
	_ =	swait.ge [sflag:s3], $0x8000  }
0x15: {  	p0 =	sne.s32 s17, s9;
	[sflag:s3] =	ssyncset.done $0x0  }
.Ltmp1:
0x16: {  	[sflag:s3] =	ssyncadd.s32 $0xFFFF8000;
	(pc) =	sbr.rel @!p0 .LBB2_19-.Ltmp1, $4  }
0x17: {  	[hbm4b:s8+s10] =	stream.strided.scatter [tilespmem:s16], [sflag:$0x1], $0x8000, s11, s10, $0x38;
	[tilespmem:$0x1B000] =	vst v63  }
0x18: {  	_ =	swait.ge [sflag:s3], $0x8000  }
0x19: {  	[sflag:s3] =	ssyncset.done $0x0  }
0x1a: {  	[sflag:s3] =	ssyncadd.s32 $0xFFFF8000  }
.LBB2_1:
0x1b: {  	[tilespmem:s2], [sflag:$0x1] =	stream.strided.gather [hbm4b:s4+s10], $0x3000, s11, s10, $0x38;
	[tilespmem:$0x1B000] =	vst v63  }
0x1c: {  	_ =	swait.ge [sflag:s3], $0x3000  }
0x1d: {  	[sflag:s3] =	ssyncset.done $0x0  }
0x1e: {  	[sflag:s3] =	ssyncadd.s32 $0xFFFFD000  }
0x1f: {  	[tilespmem:s12], [sflag:$0x1] =	stream.strided.gather [hbm4b:s5+s10], $0x3000, s11, s10, $0x38;
	[tilespmem:$0x1B000] =	vst v63  }
0x20: {  	_ =	swait.ge [sflag:s3], $0x3000  }
0x21: {  	[sflag:s3] =	ssyncset.done $0x0  }
0x22: {  	s19 =	sand.u32 $0xFF0, s2;
	[sflag:s3] =	ssyncadd.s32 $0xFFFFD000  }
0x23: {  	v3 =	vld [tilespmem:s19+$0x1000]  }
0x24: {  	v4 =	vld [tilespmem:s2+$0x0];
	_ =	sdelay $0x1  }
0x25: {  	v5 =	vld [tilespmem:s19+$0x2000];
	_ =	sdelay $0x2  }
0x26: {  	v6 =	vmul.f32 v4, v4;
	v7 =	vmul.f32 v3, v3  }
0x27: {  	v8 =	vshrl.u32 v3, $0x10;
	v9 =	vshrl.u32 v4, $0x10  }
0x28: {  	v9 =	vand.u32 $0x1, v9;
	v6 =	vadd.f32 v7, v6;
	v7 =	vmul.f32 v5, v5  }
0x29: {  	v63 =	vshrl.u32 v5, $0x10;
	v8 =	vand.u32 $0x1, v8;
	v4 =	vadd.s32 v9, v4  }
0x2a: {  	v3 =	vadd.s32 v8, v3;
	v6 =	vadd.f32 v7, v6;
	v7 =	vand.u32 $0x1, v63  }
0x2b: {  	s20 =	simm.s32 $0x6000;
	v4 =	vadd.s32 $0x7FFF, v4;
	v3 =	vadd.s32 $0x7FFF, v3;
	v5 =	vadd.s32 v7, v5  }
0x2c: {  	s21 =	simm.s32 $0x10;
	s22 =	simm.s32 $0x0;
	v3 =	vand.u32 $0xFFFF0000, v3;
	v4 =	vand.u32 $0xFFFF0000, v4;
	[tilespmem:s20+$0x0] =	vst v6;
	v5 =	vadd.s32 $0x7FFF, v5  }
.LBB2_2:
0x2d: {  	p0 =	sne.s32 s21, $0xFF0;
	[tilespmem:s22+$0x0] =	vst v4;
	v4 =	vand.u32 $0xFFFF0000, v5;
	s22 =	sadd.s32 $0x10, s22;
	s20 =	sadd.s32 $0x10, s20  }
0x2e: {  	s18 =	sand.u32 $0xFF0, s21;
	s21 =	sadd.s32 $0x10, s21;
	[tilespmem:s19+$0x1000] =	vst v3  }
0x2f: {  	v3 =	vld [tilespmem:s18+$0x1000];
	[tilespmem:s19+$0x2000] =	vst v4;
	s19 =	smov.u32 s18  }
0x30: {  	v4 =	vld [tilespmem:s22+$0x0];
	_ =	sdelay $0x1  }
0x31: {  	v5 =	vld [tilespmem:s19+$0x2000];
	_ =	sdelay $0x1  }
0x32: {  	v6 =	vshrl.u32 v3, $0x10  }
0x33: {  	v8 =	vmul.f32 v3, v3;
	v7 =	vmul.f32 v4, v4;
	v9 =	vshrl.u32 v4, $0x10  }
0x34: {  	v6 =	vand.u32 $0x1, v6;
	v9 =	vand.u32 $0x1, v9  }
.Ltmp2:
0x35: {  	v7 =	vadd.f32 v8, v7;
	v8 =	vmul.f32 v5, v5;
	v4 =	vadd.s32 v9, v4;
	(pc) =	sbr.rel @p0 .LBB2_2-.Ltmp2, $4  }
0x36: {  	v3 =	vadd.s32 v6, v3;
	v6 =	vshrl.u32 v5, $0x10;
	v4 =	vadd.s32 $0x7FFF, v4  }
0x37: {  	v3 =	vadd.s32 $0x7FFF, v3;
	v6 =	vand.u32 $0x1, v6;
	v7 =	vadd.f32 v8, v7  }
0x38: {  	v3 =	vand.u32 $0xFFFF0000, v3;
	v5 =	vadd.s32 v6, v5  }
0x39: {  	s18 =	simm.s32 $0x0;
	v4 =	vand.u32 $0xFFFF0000, v4;
	v5 =	vadd.s32 $0x7FFF, v5;
	[tilespmem:s20+$0x0] =	vst v7  }
.Ltmp3:
0x3a: {  	(pc) =	sbr.rel .LBB2_4-.Ltmp3, $4  }
0x3b: {  	_ = 	snop  }
0x3c: {  	[tilespmem:s22+$0x0] =	vst v4  }
0x3d: {  	v63 =	vand.u32 $0xFFFF0000, v5;
	[tilespmem:s19+$0x1000] =	vst v3  }
0x3e: {  	[tilespmem:s19+$0x2000] =	vst v63  }
.LBB2_9:
0x3f: {  	v3 =	vimm.s32 $0xFFFFF000;
	v6 =	vimm.f32 $+Inf  }
.LBB2_17:
0x40: {  	s19 =	sshll.u32 s18, $0x5;
	s18 =	sadd.s32 $0x1, s18  }
0x41: {  	p0 =	sne.s32 s18, $0x400  }
.Ltmp4:
0x42: {  	_ = 	snop;
	(pc) =	sbr.rel @!p0 .LBB2_18-.Ltmp4, $4  }
0x43: {  	[tilespmem:s19+$0xB000] =	vst v5  }
0x44: {  	[tilespmem:s19+$0x13000] =	vst v4  }
0x45: {  	[tilespmem:s19+$0xB010] =	vst v6  }
0x46: {  	[tilespmem:s19+$0x13010] =	vst v3  }
.LBB2_4:
0x47: {  	s19 =	sshll.u32 s18, $0x1  }
0x48: {  	s20 =	sand.u32 $0x780, s19  }
0x49: {  	s21 =	sand.u32 $0x70, s19;
	s20 =	sadd.s32 s20, s6  }
0x4a: {  	s20 =	sadd.s32 s21, s20  }
0x4b: {  	v4 =	vld [tilespmem:s20+$0x0];
	_ =	sdelay $0x1  }
0x4c: {  	v5 =	vld [tilespmem:s20+$0x1000]  }
0x4d: {  	s19 =	sand.u32 $0xE, s19;
	v6 =	vld [tilespmem:s20+$0x2000]  }
0x4e: {  	v3 =	vmov s19  }
0x4f: {  	v7 =	vperm.xlane v4, v3;
	_ =	sdelay $0x1  }
0x50: {  	v8 =	vperm.xlane v5, v3;
	v9 =	vshrl.u32 v7, $0x10  }
0x51: {  	v10 =	vperm.xlane v6, v3;
	v3 =	vand.u32 $0x1, v9  }
0x52: {  	v11 =	vmul.f32 v7, v7;
	v3 =	vadd.s32 v3, v7;
	v7 =	vshrl.u32 v8, $0x10  }
0x53: {  	v9 =	vmul.f32 v8, v8;
	v7 =	vand.u32 $0x1, v7  }
0x54: {  	v12 =	vmul.f32 v10, v10;
	v7 =	vadd.s32 v7, v8;
	v8 =	vshrl.u32 v10, $0x10  }
0x55: {  	s19 =	sor.u32 $0x1, s19;
	v3 =	vadd.s32 $0x7FFF, v3;
	v9 =	vadd.f32 v9, v11;
	v8 =	vand.u32 $0x1, v8  }
0x56: {  	v7 =	vadd.s32 $0x7FFF, v7;
	v8 =	vadd.s32 v8, v10;
	v10 =	vmov s19  }
0x57: {  	v7 =	vand.u32 $0xFFFF0000, v7;
	s19 =	simm.s32 $0x0;
	v13 =	vperm.xlane v4, v10;
	v14 =	vperm.xlane v6, v10  }
0x58: {  	v8 =	vadd.s32 $0x7FFF, v8;
	v4 =	vmul.f32 $-2.000000000e+00, v7;
	v7 =	vperm.xlane v5, v10;
	v10 =	vld [tilespmem:s19+$0x2070]  }
0x59: {  	v3 =	vand.u32 $0xFFFF0000, v3;
	v16 =	vld [tilespmem:s19+$0x1070];
	v6 =	vand.u32 $0xFFFF0000, v8  }
0x5a: {  	v3 =	vmul.f32 $-2.000000000e+00, v3;
	v9 =	vadd.f32 v12, v9;
	v18 =	vld [tilespmem:s19+$0x2060];
	v5 =	vmul.f32 $-2.000000000e+00, v6  }
0x5b: {  	v20 =	vld [tilespmem:s19+$0x70];
	v15 =	vmul.f32 v13, v13;
	v6 =	vshrl.u32 v14, $0x10;
	v8 =	vshrl.u32 v13, $0x10  }
0x5c: {  	v17 =	vmul.f32 v7, v7;
	v6 =	vand.u32 $0x1, v6;
	v8 =	vand.u32 $0x1, v8  }
0x5d: {  	v22 =	vld [tilespmem:s19+$0x2020];
	v19 =	vshrl.u32 v7, $0x10;
	v6 =	vadd.s32 v6, v14;
	v8 =	vadd.s32 v8, v13  }
0x5e: {  	v43 =	vld [tilespmem:s19+$0x1010];
	v13 =	vand.u32 $0x1, v19;
	v14 =	vmul.f32 v14, v14;
	v6 =	vadd.s32 $0x7FFF, v6  }
0x5f: {  	v19 =	vld [tilespmem:s19+$0x2050];
	v8 =	vadd.s32 $0x7FFF, v8;
	v25 =	vmul.f32 v16, v4;
	v26 =	vmul.f32 v18, v5  }
0x60: {  	v27 =	vld [tilespmem:s19+$0x60];
	v7 =	vadd.s32 v13, v7;
	v11 =	vmul.f32 v10, v5;
	v12 =	vmul.f32 v20, v3  }
0x61: {  	v24 =	vld [tilespmem:s19+$0x50];
	v6 =	vand.u32 $0xFFFF0000, v6;
	v8 =	vand.u32 $0xFFFF0000, v8;
	v21 =	vadd.s32 $0x7FFF, v7  }
0x62: {  	v29 =	vld [tilespmem:s19+$0x20];
	v6 =	vmul.f32 $-2.000000000e+00, v6;
	v7 =	vmul.f32 $-2.000000000e+00, v8;
	v8 =	vand.u32 $0xFFFF0000, v21  }
0x63: {  	v31 =	vld [tilespmem:s19+$0x40];
	v57 =	vmul.f32 v43, v4;
	v8 =	vmul.f32 $-2.000000000e+00, v8  }
0x64: {  	v13 =	vld [tilespmem:s19+$0x1050];
	v23 =	vmul.f32 v10, v6;
	v28 =	vmul.f32 v19, v5  }
0x65: {  	v30 =	vld [tilespmem:s19+$0x1040];
	v20 =	vmul.f32 v20, v7;
	v33 =	vmul.f32 v27, v7  }
0x66: {  	v21 =	vld [tilespmem:s19+$0x1060];
	v18 =	vmul.f32 v18, v6;
	v34 =	vmul.f32 v24, v7  }
0x67: {  	v24 =	vmul.f32 v24, v3;
	v37 =	vmul.f32 v29, v7  }
0x68: {  	v12 =	vadd.f32 v25, v12;
	v38 =	vmul.f32 v31, v7;
	v16 =	vmul.f32 v16, v8  }
0x69: {  	v10 =	vadd.f32 v17, v15;
	v40 =	vmul.f32 v22, v6;
	v15 =	vmul.f32 v13, v4  }
0x6a: {  	v35 =	vld [tilespmem:s19+$0x1000];
	v13 =	vmul.f32 v13, v8;
	v50 =	vmul.f32 v30, v8;
	v16 =	vadd.f32 v16, v20  }
0x6b: {  	v17 =	vld [tilespmem:s19+$0x1020];
	v10 =	vadd.f32 v14, v10;
	v14 =	vmul.f32 v21, v4;
	v21 =	vmul.f32 v21, v8  }
0x6c: {  	v42 =	vmul.f32 v19, v6;
	v13 =	vadd.f32 v13, v34;
	v16 =	vadd.f32 v23, v16  }
0x6d: {  	v20 =	vmul.f32 v27, v3;
	v27 =	vld [tilespmem:s19+$0x2040];
	v19 =	vadd.f32 v50, v38;
	v21 =	vadd.f32 v21, v33  }
0x6e: {  	v22 =	vmul.f32 v22, v5;
	v23 =	vadd.f32 v11, v12;
	v11 =	vadd.f32 v16, v10;
	v16 =	vld [tilespmem:s19+$0x0]  }
0x6f: {  	v60 =	vmul.f32 v43, v8;
	v15 =	vadd.f32 v15, v24;
	v12 =	vadd.f32 v14, v20;
	v20 =	vld [tilespmem:s19+$0x1030]  }
0x70: {  	v51 =	vld [tilespmem:s19+$0x30];
	v24 =	vmul.f32 v35, v8;
	v14 =	vadd.f32 v18, v21;
	v18 =	vmul.f32 v17, v8  }
0x71: {  	v35 =	vmul.f32 v35, v4;
	v15 =	vadd.f32 v28, v15;
	v56 =	vadd.f32 v42, v13  }
0x72: {  	v53 =	vld [tilespmem:s19+$0x2030];
	v12 =	vadd.f32 v26, v12;
	v17 =	vmul.f32 v17, v4;
	v18 =	vadd.f32 v18, v37  }
0x73: {  	v26 =	vld [tilespmem:s19+$0x2000];
	v15 =	vadd.f32 v15, v9;
	v23 =	vadd.f32 v23, v9;
	v54 =	vmul.f32 v16, v7  }
0x74: {  	v25 =	vld [tilespmem:s19+$0x10];
	v39 =	vmul.f32 v27, v6;
	v41 =	vmul.f32 v20, v8;
	v40 =	vadd.f32 v40, v18  }
0x75: {  	v32 =	vld [tilespmem:s19+$0x2010];
	v18 =	vmul.f32 v29, v3;
	v28 =	vadd.f32 v24, v54;
	v24 =	vmul.f32 v51, v7  }
0x76: {  	v14 =	vadd.f32 v14, v10;
	v12 =	vadd.f32 v12, v9;
	v52 =	vmul.f32 v16, v3;
	v16 =	vld [tilespmem:s19+$0x6050]  }
0x77: {  	v29 =	vmul.f32 v53, v6;
	v55 =	vadd.f32 v17, v18;
	v18 =	vld [tilespmem:s19+$0x6070];
	v24 =	vadd.f32 v41, v24  }
0x78: {  	v19 =	vadd.f32 v39, v19;
	v44 =	vmul.f32 v26, v5;
	v13 =	vadd.f32 v35, v52  }
0x79: {  	v36 =	vmul.f32 v25, v3;
	v59 =	vadd.f32 v40, v10;
	v24 =	vadd.f32 v29, v24  }
0x7a: {  	v58 =	vld [tilespmem:s19+$0x6020];
	v29 =	vmul.f32 v31, v3;
	v31 =	vadd.f32 v44, v13;
	v13 =	vmul.f32 v30, v4  }
0x7b: {  	v26 =	vmul.f32 v26, v6;
	v15 =	vadd.f32 v15, v16;
	v30 =	vadd.f32 v57, v36  }
0x7c: {  	v61 =	vld [tilespmem:s19+$0x6000];
	v21 =	vmul.f32 v32, v5;
	v62 =	vadd.f32 v13, v29;
	v13 =	vadd.f32 v23, v18  }
0x7d: {  	v23 =	vmul.f32 v25, v7;
	v31 =	vadd.f32 v31, v9;
	v25 =	vadd.f32 v26, v28  }
0x7e: {  	v20 =	vmul.f32 v20, v4;
	v29 =	vadd.f32 v21, v30;
	v26 =	vadd.f32 v22, v55  }
0x7f: {  	v21 =	vmul.f32 v27, v5;
	v22 =	vadd.f32 v59, v58;
	v30 =	vadd.f32 v25, v10  }
0x80: {  	v27 =	vmul.f32 v51, v3;
	v25 =	vadd.f32 v56, v10;
	v36 =	vadd.f32 v60, v23  }
0x81: {  	v32 =	vmul.f32 v32, v6;
	v23 =	vld [tilespmem:s19+$0x6060];
	v31 =	vadd.f32 v31, v61;
	v63 =	vadd.f32 v21, v62  }
0x82: {  	v34 =	vmul.f32 v53, v5;
	[tilespmem:s19+$0x7050] =	vst v15;
	v28 =	vld [tilespmem:s19+$0x6040];
	v26 =	vadd.f32 v26, v9;
	v35 =	vadd.f32 v20, v27  }
0x83: {  	v21 =	vimm.f32 $+Inf;
	v27 =	vld [tilespmem:s19+$0x6030];
	[tilespmem:s19+$0x8020] =	vst v22;
	v32 =	vadd.f32 v32, v36;
	v33 =	vadd.f32 v63, v9  }
0x84: {  	s20 =	simm.s32 $0x200;
	v17 =	vld [tilespmem:s19+$0x6010];
	v20 =	vimm.f32 $+Inf;
	[tilespmem:s19+$0x7000] =	vst v31;
	v30 =	vadd.f32 v30, v61;
	v26 =	vadd.f32 v26, v58  }
.LBB2_5:
0x85: {  	s21 =	sshra.s32 s20, $0x2;
	p0 =	sne.s32 s20, $0x3E00;
	s20 =	sadd.s32 $0x200, s20;
	v34 =	vadd.f32 v34, v35;
	v24 =	vadd.f32 v24, v10  }
0x86: {  	v21 =	vmin.f32 v21, v31;
	v29 =	vadd.f32 v29, v9;
	v35 =	vld [tilespmem:s21+$0x2070];
	[tilespmem:s19+$0x7020] =	vst v26;
	v14 =	vadd.f32 v14, v23  }
0x87: {  	v32 =	vadd.f32 v32, v10;
	v31 =	vld [tilespmem:s21+$0x1070];
	[tilespmem:s19+$0x8000] =	vst v30;
	v33 =	vadd.f32 v33, v28  }
0x88: {  	v19 =	vadd.f32 v19, v10;
	v36 =	vld [tilespmem:s21+$0x2060];
	v24 =	vadd.f32 v24, v27  }
0x89: {  	v18 =	vadd.f32 v11, v18;
	v20 =	vmin.f32 v20, v30;
	v30 =	vadd.f32 v34, v9;
	v37 =	vld [tilespmem:s21+$0x70];
	[tilespmem:s19+$0x7040] =	vst v33  }
0x8a: {  	v11 =	vadd.f32 v32, v17;
	v19 =	vadd.f32 v19, v28;
	v34 =	vld [tilespmem:s21+$0x2050];
	[tilespmem:s19+$0x8030] =	vst v24  }
0x8b: {  	v16 =	vadd.f32 v25, v16;
	v17 =	vadd.f32 v29, v17;
	v28 =	vld [tilespmem:s21+$0x1050];
	v32 =	vmul.f32 v35, v6  }
0x8c: {  	v25 =	vld [tilespmem:s21+$0x2020];
	v29 =	vmul.f32 v31, v4;
	[tilespmem:s19+$0x8010] =	vst v11;
	v11 =	vmin.f32 v20, v11;
	v20 =	vadd.f32 v30, v27  }
0x8d: {  	v12 =	vadd.f32 v12, v23;
	v21 =	vmin.f32 v21, v17;
	v27 =	vld [tilespmem:s21+$0x1060];
	v30 =	vmul.f32 v36, v5;
	[tilespmem:s19+$0x8050] =	vst v16  }
0x8e: {  	v21 =	vmin.f32 v21, v26;
	v35 =	vmul.f32 v35, v5;
	v11 =	vmin.f32 v11, v22;
	v23 =	vld [tilespmem:s21+$0x50];
	[tilespmem:s19+$0x8070] =	vst v18  }
0x8f: {  	v21 =	vmin.f32 v21, v20;
	v11 =	vmin.f32 v11, v24;
	v22 =	vld [tilespmem:s21+$0x60];
	v26 =	vmul.f32 v34, v5;
	[tilespmem:s19+$0x8040] =	vst v19  }
0x90: {  	v31 =	vmul.f32 v31, v8;
	v21 =	vmin.f32 v21, v33;
	v24 =	vld [tilespmem:s21+$0x20];
	v38 =	vmul.f32 v28, v4;
	[tilespmem:s19+$0x7070] =	vst v13  }
0x91: {  	v39 =	vmul.f32 v37, v3;
	v37 =	vmul.f32 v37, v7;
	v11 =	vmin.f32 v11, v19;
	v33 =	vld [tilespmem:s21+$0x1020];
	[tilespmem:s19+$0x8060] =	vst v14  }
0x92: {  	v11 =	vmin.f32 v11, v16;
	v40 =	vld [tilespmem:s21+$0x1040];
	v19 =	vmul.f32 v27, v4;
	v27 =	vmul.f32 v27, v8;
	[tilespmem:s19+$0x7060] =	vst v12  }
0x93: {  	v16 =	vmul.f32 v28, v8;
	v28 =	vadd.f32 v29, v39;
	v15 =	vmin.f32 v21, v15;
	v41 =	vld [tilespmem:s21+$0x40];
	[tilespmem:s19+$0x7030] =	vst v20  }
0x94: {  	v21 =	vmul.f32 v36, v6;
	v31 =	vadd.f32 v31, v37;
	v29 =	vld [tilespmem:s21+$0x2010];
	v20 =	vmul.f32 v22, v7;
	[tilespmem:s19+$0x7010] =	vst v17;
	s19 =	smov.u32 s21  }
0x95: {  	v37 =	vmul.f32 v23, v7;
	v17 =	vmul.f32 v22, v3;
	v22 =	vadd.f32 v35, v28;
	v36 =	vld [tilespmem:s19+$0x2040]  }
0x96: {  	v23 =	vmul.f32 v23, v3;
	v28 =	vld [tilespmem:s19+$0x10];
	v20 =	vadd.f32 v27, v20;
	v27 =	vadd.f32 v32, v31  }
0x97: {  	v14 =	vmin.f32 v11, v14;
	v17 =	vadd.f32 v19, v17;
	v31 =	vld [tilespmem:s19+$0x1010];
	v32 =	vmul.f32 v40, v8  }
0x98: {  	v12 =	vmin.f32 v15, v12;
	v35 =	vld [tilespmem:s19+$0x1030];
	v19 =	vadd.f32 v21, v20;
	v11 =	vadd.f32 v27, v10  }
0x99: {  	v17 =	vadd.f32 v30, v17;
	v20 =	vmin.f32 v14, v18;
	v15 =	vld [tilespmem:s19+$0x0];
	v27 =	vmul.f32 v29, v5  }
0x9a: {  	v18 =	vmul.f32 v33, v8;
	v21 =	vmin.f32 v12, v13;
	v30 =	vld [tilespmem:s19+$0x2000];
	v14 =	vadd.f32 v19, v10  }
0x9b: {  	v19 =	vmul.f32 v24, v7;
	v12 =	vadd.f32 v17, v9;
	v13 =	vld [tilespmem:s19+$0x1000];
	v39 =	vmul.f32 v28, v3  }
0x9c: {  	v37 =	vadd.f32 v16, v37;
	v42 =	vmul.f32 v41, v7;
	v43 =	vmul.f32 v36, v6;
	v17 =	vld [tilespmem:s19+$0x6010]  }
0x9d: {  	v16 =	vadd.f32 v18, v19;
	v18 =	vmul.f32 v25, v6;
	v44 =	vld [tilespmem:s19+$0x30];
	v45 =	vmul.f32 v35, v8  }
0x9e: {  	v19 =	vadd.f32 v32, v42;
	v32 =	vmul.f32 v34, v6;
	v46 =	vmul.f32 v15, v3  }
0x9f: {  	v23 =	vadd.f32 v38, v23;
	v33 =	vmul.f32 v33, v4;
	v15 =	vmul.f32 v15, v7;
	v34 =	vld [tilespmem:s19+$0x2030]  }
0xa0: {  	v47 =	vadd.f32 v18, v16;
	v38 =	vmul.f32 v30, v5;
	v42 =	vmul.f32 v13, v8  }
0xa1: {  	v23 =	vadd.f32 v26, v23;
	v18 =	vmul.f32 v24, v3;
	v13 =	vmul.f32 v13, v4;
	v16 =	vld [tilespmem:s19+$0x6050]  }
0xa2: {  	v19 =	vadd.f32 v43, v19;
	v26 =	vadd.f32 v42, v15;
	v15 =	vmul.f32 v44, v7  }
0xa3: {  	v25 =	vmul.f32 v25, v5;
	v32 =	vadd.f32 v32, v37;
	v33 =	vadd.f32 v33, v18  }
0xa4: {  	v23 =	vadd.f32 v23, v9;
	v18 =	vld [tilespmem:s19+$0x6070];
	v15 =	vadd.f32 v45, v15;
	v24 =	vmul.f32 v34, v6  }
0xa5: {  	v37 =	vmul.f32 v31, v4;
	v30 =	vmul.f32 v30, v6;
	v13 =	vadd.f32 v13, v46  }
0xa6: {  	v41 =	vmul.f32 v41, v3;
	v24 =	vadd.f32 v24, v15;
	v15 =	vadd.f32 v23, v16  }
0xa7: {  	v22 =	vadd.f32 v22, v9;
	v23 =	vadd.f32 v38, v13;
	v13 =	vmul.f32 v40, v4  }
0xa8: {  	v31 =	vmul.f32 v31, v8;
	v37 =	vadd.f32 v37, v39;
	v39 =	vadd.f32 v47, v10;
	v38 =	vld [tilespmem:s19+$0x6020];
	[tilespmem:s19+$0x7050] =	vst v15  }
0xa9: {  	v28 =	vmul.f32 v28, v7;
	v41 =	vadd.f32 v13, v41;
	v40 =	vld [tilespmem:s19+$0x6000];
	v13 =	vadd.f32 v22, v18  }
0xaa: {  	v42 =	vadd.f32 v23, v9;
	v22 =	vadd.f32 v30, v26;
	v26 =	vmul.f32 v29, v6  }
0xab: {  	v29 =	vadd.f32 v27, v37;
	v27 =	vadd.f32 v25, v33;
	v30 =	vmul.f32 v35, v4  }
0xac: {  	v33 =	vmul.f32 v36, v5;
	v25 =	vadd.f32 v32, v10;
	v37 =	vadd.f32 v22, v10  }
.Ltmp5:
0xad: {  	v32 =	vadd.f32 v31, v28;
	v35 =	vmul.f32 v44, v3;
	v22 =	vadd.f32 v39, v38;
	(pc) =	sbr.rel @p0 .LBB2_5-.Ltmp5, $4  }
0xae: {  	v34 =	vmul.f32 v34, v5;
	v33 =	vadd.f32 v33, v41;
	v23 =	vld [tilespmem:s19+$0x6060];
	v31 =	vadd.f32 v42, v40  }
0xaf: {  	v36 =	vadd.f32 v27, v9;
	v35 =	vadd.f32 v30, v35;
	v28 =	vld [tilespmem:s19+$0x6040]  }
0xb0: {  	v32 =	vadd.f32 v26, v32;
	v33 =	vadd.f32 v33, v9;
	v27 =	vld [tilespmem:s19+$0x6030];
	[tilespmem:s19+$0x7000] =	vst v31  }
0xb1: {  	v26 =	vadd.f32 v36, v38;
	v30 =	vadd.f32 v37, v40;
	[tilespmem:s19+$0x8020] =	vst v22  }
0xb2: {  	v3 =	vadd.f32 v34, v35  }
0xb3: {  	v4 =	vadd.f32 v24, v10;
	v5 =	vadd.f32 v29, v9  }
0xb4: {  	v6 =	vadd.f32 v32, v10;
	v16 =	vadd.f32 v25, v16  }
0xb5: {  	v11 =	vadd.f32 v11, v18;
	v7 =	vadd.f32 v33, v28  }
0xb6: {  	v3 =	vadd.f32 v3, v9;
	v5 =	vadd.f32 v5, v17  }
0xb7: {  	v8 =	vmin.f32 v21, v31;
	v9 =	vadd.f32 v19, v10;
	v6 =	vadd.f32 v6, v17  }
0xb8: {  	v10 =	vmin.f32 v20, v30;
	v3 =	vadd.f32 v3, v27;
	v8 =	vmin.f32 v8, v5  }
0xb9: {  	v4 =	vadd.f32 v4, v27;
	v10 =	vmin.f32 v10, v6;
	v8 =	vmin.f32 v8, v26  }
0xba: {  	[tilespmem:s19+$0x7070] =	vst v13;
	v9 =	vadd.f32 v9, v28;
	v10 =	vmin.f32 v10, v22;
	v8 =	vmin.f32 v8, v3  }
0xbb: {  	v12 =	vadd.f32 v12, v23;
	[tilespmem:s19+$0x7020] =	vst v26;
	v10 =	vmin.f32 v10, v4;
	v8 =	vmin.f32 v8, v7  }
0xbc: {  	v14 =	vadd.f32 v14, v23;
	[tilespmem:s19+$0x8000] =	vst v30;
	v10 =	vmin.f32 v10, v9;
	v8 =	vmin.f32 v8, v15  }
0xbd: {  	[tilespmem:s19+$0x8050] =	vst v16;
	v10 =	vmin.f32 v10, v16;
	v8 =	vmin.f32 v8, v12  }
0xbe: {  	[tilespmem:s19+$0x8070] =	vst v11;
	v10 =	vmin.f32 v10, v14;
	v8 =	vmin.f32 v8, v13  }
0xbf: {  	[tilespmem:s19+$0x7040] =	vst v7;
	v7 =	vmin.f32 v10, v11;
	(xrf1) =	vsort.ascd.msk.f32 $0xffff, v8, v0  }
0xc0: {  	[tilespmem:s19+$0x8060] =	vst v14;
	(xrf1) =	vsort.ascd.msk.f32 $0xffff, v7, v0  }
0xc1: {  	[tilespmem:s19+$0x7060] =	vst v12  }
0xc2: {  	[tilespmem:s19+$0x8010] =	vst v6  }
0xc3: {  	[tilespmem:s19+$0x7010] =	vst v5  }
0xc4: {  	[tilespmem:s19+$0x8030] =	vst v4  }
0xc5: {  	[tilespmem:s19+$0x8040] =	vst v9  }
0xc6: {  	[tilespmem:s19+$0x7030] =	vst v3;
	s19 =	simm.s32 $0x8000  }
0xc7: {  	v6 =	vld [tilespmem:s19+$0xFFFFF020]  }
0xc8: {  	v22 =	vld [tilespmem:s19+$0x40]  }
0xc9: {  	s20 =	simm.s32 $0x0;
	s22 =	simm.s32 $0x1010;
	v26 =	vld [tilespmem:s19+$0xFFFFF040]  }
0xca: {  	s29 =	simm.s32 $0x20;
	s30 =	simm.s32 $0x1020;
	s31 =	simm.s32 $0x30;
	v18 =	vor.u32 s20, v0;
	v21 =	vor.u32 s22, v0;
	v16 =	vld [tilespmem:s19+$0x0]  }
0xcb: {  	s21 =	simm.s32 $0x10;
	s23 =	simm.s32 $0x40;
	v23 =	vor.u32 s29, v0;
	v50 =	vor.u32 s30, v0;
	v51 =	vor.u32 s31, v0;
	v10 =	vld [tilespmem:s19+$0xFFFFF000]  }
0xcc: {  	s28 =	simm.s32 $0x1000;
	s24 =	simm.s32 $0x1040;
	v53 =	vor.u32 s23, v0;
	v20 =	vor.u32 s21, v0;
	s21 =	simm.s32 $0x1030;
	v3 =	vmul.u32 $0x100, v0;
	v12 =	vld [tilespmem:s19+$0xFFFFF010]  }
0xcd: {  	v55 =	vor.u32 s24, v0;
	s29 =	simm.s32 $0xA0;
	v19 =	vor.u32 s28, v0;
	v52 =	vor.u32 s21, v0;
	v54 =	vld [tilespmem:s19+$0xFFFFF070];
	v4, _, _ =	vpop (xrf1)  }
0xce: {  	s25 =	simm.s32 $0x1080;
	s22 =	simm.s32 $0x80;
	v9 =	vor.u32 s29, v0;
	v17 =	vor.u32 $0x1000, v3;
	v13 =	vld [tilespmem:s19+$0x10];
	v4 =	vperm.xlane v4, v1;
	v5, _, _ =	vpop (xrf1)  }
0xcf: {  	s26 =	simm.s32 $0x90;
	s28 =	simm.s32 $0x1090;
	v56 =	vld [tilespmem:s19+$0xFFFFF030];
	v15 =	vor.u32 s25, v0;
	v14 =	vor.u32 s22, v0;
	v5 =	vperm.xlane v5, v1  }
0xd0: {  	s30 =	simm.s32 $0x10A0;
	v11 =	vor.u32 s28, v0;
	v8 =	vor.u32 s26, v0;
	v7 =	vld [tilespmem:s19+$0x20];
	vm1 =	vle.f32 v10, v4  }
0xd1: {  	s31 =	simm.s32 $0xB0;
	v57 =	vld [tilespmem:s19+$0x30];
	v10 =	vor.u32 s30, v0;
	vm2 =	vle.f32 v12, v4;
	vm3 =	vle.f32 v16, v5  }
0xd2: {  	v58 =	vld [tilespmem:s19+$0x50];
	vm0 =	vle.f32 v6, v4;
	v12 =	vor.u32 s31, v0;
	v6 =	vsel vm1, $0x1, v2  }
0xd3: {  	v60 =	vld [tilespmem:s19+$0xFFFFF050];
	vm4 =	vle.f32 v13, v5;
	v59 =	vsel vm3, $0x1, v2;
	v6 =	vadd.s32 v6, v3  }
0xd4: {  	v37 =	vld [tilespmem:s19+$0x70];
	vm6 =	vle.f32 v56, v4;
	v36 =	vsel vm2, $0x1, v2;
	v34 =	vadd.s32 v59, v17  }
0xd5: {  	v38 =	vld [tilespmem:s19+$0x60];
	vm5 =	vle.f32 v7, v5;
	v61 =	vsel vm4, $0x1, v2;
	v7 =	vadd.s32 v36, v6  }
0xd6: {  	vm7 =	vle.f32 v26, v4;
	v16 =	vld [tilespmem:s19+$0xFFFFF060];
	v39 =	vsel vm0, $0x1, v2;
	v62 =	vadd.s32 v61, v34;
	[tilespmem:v3+s13+$0x0] =	vst.idx.msk vm1, v18  }
0xd7: {  	v63 =	vadd.s32 v39, v7;
	v18 =	vsel vm5, $0x1, v2;
	vm1 =	vle.f32 v57, v5;
	[tilespmem:v17+s13+$0x0] =	vst.idx.msk vm3, v19  }
0xd8: {  	vm15 =	vle.f32 v60, v4;
	v17 =	vsel vm6, $0x1, v2;
	v18 =	vadd.s32 v18, v62;
	[tilespmem:v6+s13+$0x0] =	vst.idx.msk vm2, v20  }
0xd9: {  	vm8 =	vle.f32 v22, v5;
	v6 =	vsel vm1, $0x1, v2;
	v17 =	vadd.s32 v17, v63;
	[tilespmem:v34+s13+$0x0] =	vst.idx.msk vm4, v21  }
0xda: {  	vm9 =	vle.f32 v58, v5;
	v19 =	vsel vm7, $0x1, v2;
	v6 =	vadd.s32 v6, v18;
	[tilespmem:v7+s13+$0x0] =	vst.idx.msk vm0, v23  }
0xdb: {  	vm3 =	vle.f32 v16, v4;
	v19 =	vadd.s32 v19, v17;
	v7 =	vsel vm8, $0x1, v2;
	[tilespmem:v62+s13+$0x0] =	vst.idx.msk vm5, v50  }
0xdc: {  	v16 =	vsel vm15, $0x1, v2;
	vm2 =	vle.f32 v38, v5;
	v7 =	vadd.s32 v7, v6;
	[tilespmem:v63+s13+$0x0] =	vst.idx.msk vm6, v51  }
0xdd: {  	vm0 =	vle.f32 v37, v5;
	[tilespmem:v18+s13+$0x0] =	vst.idx.msk vm1, v52;
	v18 =	vadd.s32 v16, v19;
	v16 =	vsel vm9, $0x1, v2  }
0xde: {  	s23 =	simm.s32 $0x50;
	v20 =	vsel vm3, $0x1, v2;
	vm1 =	vle.f32 v54, v4;
	[tilespmem:v17+s13+$0x0] =	vst.idx.msk vm7, v53;
	v21 =	vadd.s32 v16, v7  }
0xdf: {  	s25 =	simm.s32 $0x1050;
	s22 =	simm.s32 $0x10B0;
	v22 =	vadd.s32 v20, v18;
	v17 =	vor.u32 s23, v0;
	v20 =	vsel vm2, $0x1, v2;
	[tilespmem:v6+s13+$0x0] =	vst.idx.msk vm8, v55  }
0xe0: {  	s24 =	simm.s32 $0x100;
	s21 =	simm.s32 $0xC0;
	s28 =	simm.s32 $0x60;
	v13 =	vor.u32 s22, v0;
	v20 =	vadd.s32 v20, v21;
	[tilespmem:v19+s13+$0x0] =	vst.idx.msk vm15, v17;
	v19 =	vor.u32 s25, v0  }
0xe1: {  	s29 =	simm.s32 $0x1060;
	s26 =	simm.s32 $0x10C0;
	v16 =	vor.u32 s21, v0;
	v6 =	vor.u32 s24, v0;
	[tilespmem:v7+s13+$0x0] =	vst.idx.msk vm9, v19;
	v7 =	vor.u32 s28, v0  }
0xe2: {  	s20 =	simm.s32 $0x8100;
	s30 =	simm.s32 $0x70;
	s31 =	simm.s32 $0x1100;
	v17 =	vor.u32 s26, v0;
	v19 =	vsel vm1, $0x1, v2;
	[tilespmem:v18+s13+$0x0] =	vst.idx.msk vm3, v7;
	v7 =	vor.u32 s29, v0  }
0xe3: {  	s22 =	simm.s32 $0x8080;
	s19 =	simm.s32 $0x140;
	s26 =	simm.s32 $0x1070;
	v18 =	vsel vm0, $0x1, v2;
	v19 =	vadd.s32 v19, v22;
	[tilespmem:v21+s13+$0x0] =	vst.idx.msk vm2, v7;
	v21 =	vor.u32 s30, v0  }
0xe4: {  	s23 =	simm.s32 $0x110;
	s24 =	simm.s32 $0x8100;
	s25 =	simm.s32 $0x1C0;
	v18 =	vadd.s32 v18, v20;
	v7 =	vor.u32 s31, v0;
	[tilespmem:v22+s13+$0x0] =	vst.idx.msk vm1, v21;
	v21 =	vor.u32 s26, v0  }
.LBB2_7:
0xe5: {  	p0 =	sne.s32 s25, $0xFC0;
	s26 =	sadd.s32 $0xFD0, s19;
	v22 =	vor.u32 s23, v0;
	s24 =	sadd.s32 $0x80, s24;
	[tilespmem:v20+s13+$0x0] =	vst.idx.msk vm0, v21  }
0xe6: {  	s23 =	smov.u32 s25;
	s25 =	sadd.s32 $0x80, s25;
	v20 =	vld [tilespmem:s22+$0xFFFFF020]  }
0xe7: {  	v21 =	vor.u32 s26, v0;
	v23 =	vld [tilespmem:s22+$0x20]  }
0xe8: {  	v24 =	vld [tilespmem:s22+$0x10]  }
0xe9: {  	v25 =	vld [tilespmem:s22+$0xFFFFF010]  }
0xea: {  	v26 =	vld [tilespmem:s22+$0x0]  }
0xeb: {  	v27 =	vld [tilespmem:s22+$0xFFFFF000]  }
0xec: {  	s26 =	sadd.s32 $0xFFFFFFE0, s19;
	v28 =	vld [tilespmem:s22+$0x40]  }
0xed: {  	s28 =	sadd.s32 $0xFE0, s19;
	v29 =	vor.u32 s26, v0;
	v30 =	vld [tilespmem:s22+$0xFFFFF040]  }
0xee: {  	v31 =	vor.u32 s28, v0;
	s26 =	sadd.s32 $0xFFFFFFF0, s19;
	v32 =	vld [tilespmem:s22+$0xFFFFF070]  }
0xef: {  	s28 =	sadd.s32 $0xFF0, s19;
	vm1 =	vle.f32 v20, v4;
	vm0 =	vle.f32 v25, v4;
	v33 =	vld [tilespmem:s22+$0xFFFFF030]  }
0xf0: {  	v25 =	vor.u32 s26, v0;
	vm5 =	vle.f32 v26, v5;
	v20 =	vld [tilespmem:s22+$0x30];
	vm6 =	vle.f32 v27, v4  }
0xf1: {  	v26 =	vor.u32 s28, v0;
	v35 =	vsel vm5, $0x1, v2;
	v27 =	vld [tilespmem:s22+$0xFFFFF060];
	v34 =	vsel vm6, $0x1, v2  }
0xf2: {  	vm3 =	vle.f32 v23, v5;
	vm4 =	vle.f32 v24, v5;
	v36 =	vld [tilespmem:s22+$0x50];
	v23 =	vadd.s32 v34, v19  }
0xf3: {  	v37 =	vsel vm3, $0x1, v2;
	v34 =	vadd.s32 v35, v18;
	v35 =	vsel vm0, $0x1, v2;
	v24 =	vld [tilespmem:s22+$0xFFFFF050]  }
0xf4: {  	v40 =	vsel vm1, $0x1, v2;
	s26 =	sadd.s32 $0xFFFFFFC0, s23;
	v39 =	vsel vm4, $0x1, v2;
	v35 =	vadd.s32 v35, v23;
	v38 =	vld [tilespmem:s22+$0x70]  }
0xf5: {  	vm2 =	vle.f32 v28, v5;
	v28 =	vadd.s32 v39, v34;
	vm8 =	vle.f32 v33, v4;
	v41 =	vld [tilespmem:s22+$0x60];
	s22 =	smov.u32 s20;
	s20 =	smov.u32 s24  }
0xf6: {  	vm9 =	vle.f32 v20, v5;
	[tilespmem:v19+s13+$0x0] =	vst.idx.msk vm6, v14;
	v14 =	vadd.s32 v40, v35;
	v19 =	vsel vm8, $0x1, v2  }
0xf7: {  	vm7 =	vle.f32 v30, v4;
	[tilespmem:v18+s13+$0x0] =	vst.idx.msk vm5, v15;
	v15 =	vadd.s32 v37, v28;
	v18 =	vsel vm9, $0x1, v2  }
0xf8: {  	v19 =	vadd.s32 v19, v14;
	[tilespmem:v23+s13+$0x0] =	vst.idx.msk vm0, v8;
	v18 =	vadd.s32 v18, v15;
	v8 =	vsel vm7, $0x1, v2  }
0xf9: {  	vm5 =	vle.f32 v24, v4;
	vm0 =	vle.f32 v38, v5;
	[tilespmem:v34+s13+$0x0] =	vst.idx.msk vm4, v11;
	v11 =	vsel vm2, $0x1, v2  }
0xfa: {  	v23 =	vor.u32 s19, v0;
	vm4 =	vle.f32 v36, v5;
	v20 =	vadd.s32 v8, v19;
	[tilespmem:v35+s13+$0x0] =	vst.idx.msk vm1, v9  }
0xfb: {  	v24 =	vor.u32 s26, v0;
	vm1 =	vle.f32 v32, v4;
	[tilespmem:v28+s13+$0x0] =	vst.idx.msk vm3, v10;
	v28 =	vadd.s32 v11, v18  }
0xfc: {  	vm6 =	vle.f32 v27, v4;
	s26 =	sadd.s32 $0x1000, s19;
	vm3 =	vle.f32 v41, v5;
	v11 =	vsel vm5, $0x1, v2;
	[tilespmem:v14+s13+$0x0] =	vst.idx.msk vm8, v12  }
0xfd: {  	v27 =	vsel vm4, $0x1, v2;
	v10 =	vsel vm6, $0x1, v2;
	v8 =	vmovc v22;
	v12 =	vadd.s32 v11, v20;
	[tilespmem:v15+s13+$0x0] =	vst.idx.msk vm9, v13  }
0xfe: {  	s28 =	sadd.s32 $0xFC0, s23;
	v14 =	vadd.s32 v27, v28;
	v15 =	vor.u32 s26, v0;
	s26 =	sadd.s32 $0x10, s21;
	v22 =	vadd.s32 v10, v12;
	[tilespmem:v19+s13+$0x0] =	vst.idx.msk vm7, v16  }
0xff: {  	s29 =	sadd.s32 $0x1010, s21;
	v9 =	vmovc v29;
	v13 =	vsel vm3, $0x1, v2;
	v16 =	vsel vm1, $0x1, v2;
	v11 =	vmovc v21;
	[tilespmem:v18+s13+$0x0] =	vst.idx.msk vm2, v17;
	v18 =	vor.u32 s26, v0  }
.Ltmp6:
0x100: {  	v21 =	vsel vm0, $0x1, v2;
	v10 =	vmovc v31;
	s26 =	sadd.s32 $0x20, s21;
	v17 =	vor.u32 s29, v0;
	[tilespmem:v20+s13+$0x0] =	vst.idx.msk vm5, v18;
	v20 =	vadd.s32 v13, v14;
	(pc) =	sbr.rel @p0 .LBB2_7-.Ltmp6, $4  }
0x101: {  	s29 =	sadd.s32 $0x1020, s21;
	v19 =	vadd.s32 v16, v22;
	v29 =	vor.u32 s26, v0;
	[tilespmem:v28+s13+$0x0] =	vst.idx.msk vm4, v17;
	v18 =	vadd.s32 v21, v20  }
0x102: {  	v27 =	vor.u32 s28, v0;
	s26 =	sadd.s32 $0x30, s21;
	v13 =	vmovc v26;
	v28 =	vor.u32 s29, v0;
	v16 =	vmovc v23;
	[tilespmem:v12+s13+$0x0] =	vst.idx.msk vm6, v29;
	v12 =	vmov v25  }
0x103: {  	s28 =	sadd.s32 $0x1030, s21;
	s21 =	smov.u32 s19;
	s19 =	smov.u32 s23;
	v21 =	vor.u32 s26, v0;
	v17 =	vmovc v15;
	v15 =	vmovc v7;
	[tilespmem:v14+s13+$0x0] =	vst.idx.msk vm3, v28;
	v14 =	vmov v6;
	v6 =	vmov v24  }
0x104: {  	s23 =	sadd.s32 $0xFFFFFFD0, s19;
	v7 =	vmov v27;
	[tilespmem:v22+s13+$0x0] =	vst.idx.msk vm1, v21;
	v21 =	vor.u32 s28, v0  }
0x105: {  	_ =	sdelay $0x4  }
0x106: {  	[tilespmem:v20+s13+$0x0] =	vst.idx.msk vm0, v21  }
0x107: {  	v20 =	vld [tilespmem:s22+$0xFFFFF020]  }
0x108: {  	v21 =	vld [tilespmem:s22+$0x20]  }
0x109: {  	v22 =	vld [tilespmem:s22+$0x10]  }
0x10a: {  	v23 =	vld [tilespmem:s22+$0xFFFFF010]  }
0x10b: {  	v25 =	vld [tilespmem:s22+$0xFFFFF000]  }
0x10c: {  	v24 =	vld [tilespmem:s22+$0x0]  }
0x10d: {  	v26 =	vld [tilespmem:s22+$0x40]  }
0x10e: {  	v27 =	vld [tilespmem:s22+$0xFFFFF040]  }
0x10f: {  	v28 =	vld [tilespmem:s22+$0xFFFFF070]  }
0x110: {  	v29 =	vld [tilespmem:s22+$0xFFFFF030];
	vm14 =	vle.f32 v25, v4  }
0x111: {  	v30 =	vld [tilespmem:s22+$0x30];
	vm5 =	vle.f32 v24, v5  }
0x112: {  	v56 =	vld [tilespmem:s22+$0xFFFFF060];
	vm4 =	vle.f32 v23, v4;
	vm2 =	vle.f32 v20, v4;
	v57 =	vsel vm14, $0x1, v2  }
0x113: {  	s29 =	sadd.s32 $0x10, s21;
	v58 =	vld [tilespmem:s22+$0x50];
	vm6 =	vle.f32 v22, v5;
	v24 =	vsel vm5, $0x1, v2;
	v20 =	vadd.s32 v57, v19  }
0x114: {  	v59 =	vld [tilespmem:s22+$0xFFFFF050];
	v38 =	vor.u32 s29, v0;
	v61 =	vsel vm4, $0x1, v2;
	v60 =	vadd.s32 v24, v18  }
0x115: {  	v32 =	vld [tilespmem:s22+$0x70];
	vm3 =	vle.f32 v21, v5;
	v33 =	vsel vm6, $0x1, v2;
	v24 =	vadd.s32 v61, v20  }
0x116: {  	v34 =	vld [tilespmem:s22+$0x60];
	vm7 =	vle.f32 v29, v4;
	v62 =	vsel vm2, $0x1, v2;
	v63 =	vadd.s32 v33, v60;
	[tilespmem:v19+s13+$0x0] =	vst.idx.msk vm14, v14  }
0x117: {  	vm8 =	vle.f32 v30, v5;
	v31 =	vsel vm3, $0x1, v2;
	v29 =	vadd.s32 v62, v24;
	[tilespmem:v18+s13+$0x0] =	vst.idx.msk vm5, v15  }
0x118: {  	vm15 =	vle.f32 v27, v4;
	v30 =	vsel vm7, $0x1, v2;
	v31 =	vadd.s32 v31, v63;
	[tilespmem:v20+s13+$0x0] =	vst.idx.msk vm4, v8  }
0x119: {  	vm1 =	vle.f32 v26, v5;
	v33 =	vsel vm8, $0x1, v2;
	v8 =	vadd.s32 v30, v29;
	[tilespmem:v60+s13+$0x0] =	vst.idx.msk vm6, v11  }
0x11a: {  	vm9 =	vle.f32 v59, v4;
	v18 =	vadd.s32 v33, v31;
	v11 =	vsel vm15, $0x1, v2;
	[tilespmem:v24+s13+$0x0] =	vst.idx.msk vm2, v9  }
0x11b: {  	vm11 =	vle.f32 v58, v5;
	v9 =	vsel vm1, $0x1, v2;
	v11 =	vadd.s32 v11, v8;
	[tilespmem:v63+s13+$0x0] =	vst.idx.msk vm3, v10  }
0x11c: {  	vm12 =	vle.f32 v56, v4;
	v9 =	vadd.s32 v9, v18;
	v10 =	vsel vm9, $0x1, v2;
	[tilespmem:v29+s13+$0x0] =	vst.idx.msk vm7, v12  }
0x11d: {  	vm13 =	vle.f32 v34, v5;
	v35 =	vsel vm11, $0x1, v2;
	v10 =	vadd.s32 v10, v11;
	[tilespmem:v31+s13+$0x0] =	vst.idx.msk vm8, v13  }
0x11e: {  	v36 =	vsel vm12, $0x1, v2;
	vm14 =	vle.f32 v28, v4;
	[tilespmem:v8+s13+$0x0] =	vst.idx.msk vm15, v16;
	v8 =	vadd.s32 v35, v9  }
0x11f: {  	s24 =	sadd.s32 $0x1010, s21;
	vm10 =	vle.f32 v32, v5;
	v39 =	vsel vm13, $0x1, v2;
	v37 =	vadd.s32 v36, v10;
	[tilespmem:v18+s13+$0x0] =	vst.idx.msk vm1, v17  }
0x120: {  	s30 =	sadd.s32 $0x20, s21;
	v40 =	vadd.s32 v39, v8;
	[tilespmem:v11+s13+$0x0] =	vst.idx.msk vm9, v38;
	v11 =	vor.u32 s24, v0  }
0x121: {  	s31 =	sadd.s32 $0x1020, s21;
	[tilespmem:v9+s13+$0x0] =	vst.idx.msk vm11, v11;
	v9 =	vor.u32 s30, v0  }
0x122: {  	s25 =	sadd.s32 $0x30, s21;
	[tilespmem:v10+s13+$0x0] =	vst.idx.msk vm12, v9;
	v9 =	vor.u32 s31, v0  }
0x123: {  	s26 =	sadd.s32 $0x1030, s21;
	[tilespmem:v8+s13+$0x0] =	vst.idx.msk vm13, v9;
	v8 =	vor.u32 s25, v0  }
0x124: {  	[tilespmem:v37+s13+$0x0] =	vst.idx.msk vm14, v8;
	v8 =	vor.u32 s26, v0  }
0x125: {  	[tilespmem:v40+s13+$0x0] =	vst.idx.msk vm10, v8  }
0x126: {  	v8 =	vld [tilespmem:s20+$0xFFFFF020]  }
0x127: {  	v9 =	vld [tilespmem:s20+$0x20]  }
0x128: {  	v10 =	vld [tilespmem:s20+$0xFFFFF010]  }
0x129: {  	v11 =	vld [tilespmem:s20+$0xFFFFF000]  }
0x12a: {  	v41 =	vld [tilespmem:s20+$0x0]  }
0x12b: {  	v15 =	vld [tilespmem:s20+$0x10]  }
0x12c: {  	v17 =	vld [tilespmem:s20+$0x40]  }
0x12d: {  	v44 =	vld [tilespmem:s20+$0xFFFFF040]  }
0x12e: {  	v45 =	vld [tilespmem:s20+$0xFFFFF030]  }
0x12f: {  	v20 =	vld [tilespmem:s20+$0x70]  }
0x130: {  	v22 =	vld [tilespmem:s20+$0x50]  }
0x131: {  	v43 =	vsel vm10, $0x1, v2;
	v42 =	vsel vm14, $0x1, v2;
	v50 =	vld [tilespmem:s20+$0xFFFFF060]  }
0x132: {  	v12 =	vadd.s32 v42, v37;
	v13 =	vadd.s32 v43, v40;
	vm2 =	vle.f32 v10, v4  }
0x133: {  	vm6 =	vle.f32 v11, v4;
	vm1 =	vle.f32 v8, v4;
	vm8 =	vle.f32 v41, v5  }
0x134: {  	vm7 =	vle.f32 v15, v5;
	vm3 =	vle.f32 v9, v5;
	vm9 =	vle.f32 v45, v4  }
0x135: {  	v8 =	vld [tilespmem:s20+$0x30];
	vm4 =	vle.f32 v17, v5;
	vm14 =	vle.f32 v44, v4;
	vm0 =	vle.f32 v20, v5  }
0x136: {  	v11 =	vld [tilespmem:s20+$0xFFFFF070];
	vm13 =	vle.f32 v22, v5;
	vm15 =	vle.f32 v50, v4;
	v10 =	vsel vm6, $0x1, v2  }
0x137: {  	v9 =	vld [tilespmem:s20+$0xFFFFF050];
	v14 =	vsel vm8, $0x1, v2;
	v46 =	vsel vm2, $0x1, v2;
	v47 =	vsel vm3, $0x1, v2  }
0x138: {  	v48 =	vsel vm7, $0x1, v2;
	v49 =	vsel vm1, $0x1, v2;
	v10 =	vadd.s32 v10, v12  }
0x139: {  	v53 =	vsel vm9, $0x1, v2;
	v14 =	vadd.s32 v14, v13;
	v15 =	vadd.s32 v46, v10  }
0x13a: {  	v57 =	vsel vm14, $0x1, v2;
	v51 =	vadd.s32 v48, v14;
	v52 =	vadd.s32 v49, v15  }
0x13b: {  	v19 =	vadd.s32 v47, v51;
	vm10 =	vle.f32 v8, v5;
	v8 =	vld [tilespmem:s20+$0x60];
	v55 =	vadd.s32 v53, v52  }
0x13c: {  	vm12 =	vle.f32 v9, v4;
	v9 =	vimm.s32 $0x0;
	vm5 =	vle.f32 v11, v4  }
0x13d: {  	v54 =	vsel vm10, $0x1, v2;
	v9 =	vsel vm0, $0xFFFFFFFF, v9;
	v58 =	vadd.s32 v57, v55  }
0x13e: {  	v4 =	vsel vm12, $0x1, v2;
	v56 =	vadd.s32 v54, v19;
	[tilespmem:$0x1FFF0] =	vst v9;
	v9 =	vsel vm4, $0x1, v2  }
0x13f: {  	v4 =	vadd.s32 v4, v58;
	v11 =	vadd.s32 v9, v56;
	v9 =	vmul.u32 $0xFFFFFF00, v0  }
0x140: {  	vm11 =	vle.f32 v8, v5;
	v5 =	vsel vm13, $0x1, v2;
	v8 =	vsel vm15, $0x1, v2  }
0x141: {  	v5 =	vadd.s32 v5, v11;
	v59 =	vadd.s32 v8, v4;
	v8 =	vsel vm11, $0x1, v2  }
0x142: {  	v60 =	vsel vm5, $0x1, v2;
	v61 =	vadd.s32 v8, v5;
	v8 =	vsel vm0, $0x1, v2  }
0x143: {  	v63 =	vadd.s32 $0xFFFFF000, v9;
	v22 =	vadd.s32 v60, v59;
	v62 =	vadd.s32 v8, v61  }
0x144: {  	v8 =	vadd.s32 v9, v22;
	v9 =	vadd.s32 v63, v62  }
0x145: {  	vm0 =	vgt.s32 v8, v9  }
0x146: {  	v22 =	vsel vm0, v8, v9  }
0x147: {  	v22 =	vxor.u32 $0x80000000, v22  }
0x148: {  	(xrf0) =	vmax.scan.msk.u32 $0xffff, v22;
	_ =	sdelay $0x4  }
0x149: {  	[tilespmem:v12+s13+$0x0] =	vst.idx.msk vm6, v6  }
0x14a: {  	s28 =	sadd.s32 $0xFD0, s19;
	v6 =	vor.u32 s23, v0;
	[tilespmem:v13+s13+$0x0] =	vst.idx.msk vm8, v7;
	v22, _, _ =	vpop (xrf0)  }
0x14b: {  	s29 =	sadd.s32 $0xFFFFFFE0, s19;
	[tilespmem:v10+s13+$0x0] =	vst.idx.msk vm2, v6;
	v6 =	vor.u32 s28, v0;
	(v2sf) =	vpush v22, $0xF  }
0x14c: {  	s30 =	sadd.s32 $0xFE0, s19;
	[tilespmem:v14+s13+$0x0] =	vst.idx.msk vm7, v6;
	v6 =	vor.u32 s29, v0  }
0x14d: {  	s31 =	sadd.s32 $0xFFFFFFF0, s19;
	[tilespmem:v15+s13+$0x0] =	vst.idx.msk vm1, v6;
	v6 =	vor.u32 s30, v0  }
0x14e: {  	s22 =	sadd.s32 $0xFF0, s19;
	[tilespmem:v51+s13+$0x0] =	vst.idx.msk vm3, v6;
	v6 =	vor.u32 s31, v0  }
0x14f: {  	v7 =	vor.u32 s22, v0;
	[tilespmem:v52+s13+$0x0] =	vst.idx.msk vm9, v6  }
0x150: {  	s23 =	sadd.s32 $0x1000, s19;
	v6 =	vor.u32 s19, v0;
	[tilespmem:v19+s13+$0x0] =	vst.idx.msk vm10, v7  }
0x151: {  	s24 =	sadd.s32 $0x10, s19;
	v7 =	vor.u32 s23, v0;
	[tilespmem:v55+s13+$0x0] =	vst.idx.msk vm14, v6  }
0x152: {  	s25 =	sadd.s32 $0x1010, s19;
	v6 =	vor.u32 s24, v0;
	[tilespmem:v56+s13+$0x0] =	vst.idx.msk vm4, v7  }
0x153: {  	s26 =	sadd.s32 $0x20, s19;
	[tilespmem:v58+s13+$0x0] =	vst.idx.msk vm12, v6;
	v6 =	vor.u32 s25, v0  }
0x154: {  	s28 =	sadd.s32 $0x1020, s19;
	[tilespmem:v11+s13+$0x0] =	vst.idx.msk vm13, v6;
	v6 =	vor.u32 s26, v0  }
0x155: {  	[tilespmem:v4+s13+$0x0] =	vst.idx.msk vm15, v6;
	v4 =	vor.u32 s28, v0  }
0x156: {  	[tilespmem:v5+s13+$0x0] =	vst.idx.msk vm11, v4;
	v5 =	vld [tilespmem:$0x1FFF0];
	_ =	sdelay $0x3  }
0x157: {  	s30 =	spop (v2sf)  }
0x158: {  	s29 =	sadd.s32 $0x30, s19;
	s31 =	sadd.s32 $0x1030, s19;
	vm15 =	vnez.u8 v5;
	s19 =	sxor.u32 $0x80000000, s30  }
0x159: {  	p0 =	slt.s32 s19, $0x1  }
.Ltmp7:
0x15a: {  	_ = 	snop;
	(pc) =	sbr.rel @p0 .LBB2_9-.Ltmp7, $4  }
0x15b: {  	_ = 	snop  }
0x15c: {  	v4 =	vor.u32 s29, v0  }
0x15d: {  	[tilespmem:v59+s13+$0x0] =	vst.idx.msk vm5, v4;
	v4 =	vor.u32 s31, v0  }
0x15e: {  	s20 =	simm.s32 $0x0;
	v5 =	vimm.f32 $+Inf;
	[tilespmem:v61+s13+$0x0] =	vst.idx.msk vm15, v4;
	v4 =	vimm.s32 $0x0  }
0x15f: {  	vm0 =	vgt.s32 v8, s20  }
0x160: {  	v6 =	vadd.s32 s20, v3;
	vm1 =	vgt.s32 v9, s20;
	s31 =	simm.s32 $0x1000  }
0x161: {  	v10 =	vadd.s32 s31, v3;
	_ =	sdelay $0x3  }
0x162: {  	v7 =	vld.idx.msk [tilespmem:v6+s13+$0x0], vm0  }
0x163: {  	v6 =	vld.idx.msk [tilespmem:v10+s13+$0x0], vm1  }
0x164: {  	vm0 =	vmmov vm0  }
0x165: {  	vm1 =	vmmov vm1  }
0x166: {  	p2 =	sne.s32 s19, $0x1  }
.Ltmp8:
0x167: {  	_ = 	snop;
	(pc) =	sbr.rel @!p2 .LBB2_11-.Ltmp8, $3  }
0x168: {  	_ =	sdelay $0x1  }
0x169: {  	v11 =	vld.idx.msk [tilespmem:v7+s14+$0x0], vm0  }
0x16a: {  	s20 =	simm.s32 $0x1;
	p0 =	por $0x0, $0x0;
	p1 =	por $0x0, $0x0;
	v12 =	vld.idx.msk [tilespmem:v6+s14+$0x0], vm1  }
0x16b: {  	vm2 =	vgt.s32 v8, s20  }
0x16c: {  	v10 =	vadd.s32 s20, v3;
	vm3 =	vgt.s32 v9, s20;
	s31 =	simm.s32 $0x1001  }
0x16d: {  	v13 =	vadd.s32 s31, v3;
	_ =	sdelay $0x2  }
0x16e: {  	v11 =	vnsel vm0, $0x7F800000, v11  }
0x16f: {  	v12 =	vnsel vm1, $0x7F800000, v12;
	(xrf1) =	vsort.ascd.msk.f32 $0xffff, v11, v7;
	v7 =	vld.idx.msk [tilespmem:v10+s13+$0x0], vm2  }
0x170: {  	(xrf1) =	vsort.ascd.msk.f32 $0xffff, v12, v6;
	v6 =	vld.idx.msk [tilespmem:v13+s13+$0x0], vm3;
	_ =	sdelay $0x2  }
0x171: {  	p2 =	sne.s32 s19, $0x2  }
.Ltmp9:
0x172: {  	_ = 	snop;
	(pc) =	sbr.rel @!p2 .LBB2_13-.Ltmp9, $3  }
0x173: {  	_ =	sdelay $0x1  }
0x174: {  	v11 =	vld.idx.msk [tilespmem:v7+s14+$0x0], vm2  }
0x175: {  	s20 =	simm.s32 $0x2;
	p0 =	por $0x1, $0x1;
	vm0 =	vmmov vm2;
	vm1 =	vmmov vm3;
	v12 =	vld.idx.msk [tilespmem:v6+s14+$0x0], vm3  }
0x176: {  	vm2 =	vgt.s32 v8, s20  }
0x177: {  	v10 =	vadd.s32 s20, v3;
	_ =	sdelay $0x2  }
0x178: {  	vm3 =	vgt.s32 v9, s20;
	s31 =	simm.s32 $0x1002  }
0x179: {  	v13 =	vadd.s32 s31, v3;
	v11 =	vnsel vm0, $0x7F800000, v11  }
0x17a: {  	v14, v15, _ =	vpop (xrf1);
	(xrf1) =	vsort.ascd.msk.f32 $0xffff, v11, v7;
	v7 =	vld.idx.msk [tilespmem:v10+s13+$0x0], vm2;
	v10 =	vmul.u32 $0xFFFFFFFF, v0;
	_ =	sdelay $0x1  }
0x17b: {  	v10 =	vadd.s32 $0xF, v10  }
0x17c: {  	v12 =	vnsel vm1, $0x7F800000, v12;
	v16, v17, _ =	vpop (xrf1);
	v11 =	vperm.xlane v14, v10  }
0x17d: {  	(xrf1) =	vsort.ascd.msk.f32 $0xffff, v12, v6;
	v6 =	vld.idx.msk [tilespmem:v13+s13+$0x0], vm3;
	v12 =	vperm.xlane v15, v10;
	v13 =	vperm.xlane v16, v10  }
0x17e: {  	vm0 =	vmmov vm2;
	v14 =	vperm.xlane v17, v10;
	vm2 =	vle.f32 v5, v11  }
0x17f: {  	v11 =	vsel vm2, v5, v11;
	v12 =	vsel vm2, v4, v12;
	vm2 =	vle.f32 v5, v13  }
0x180: {  	v13 =	vsel vm2, v5, v13;
	v14 =	vsel vm2, v4, v14;
	(xrf1) =	vsort.ascd.msk.f32 $0xffff, v11, v12  }
0x181: {  	(xrf1) =	vsort.ascd.msk.f32 $0xffff, v13, v14;
	_ =	sdelay $0x1  }
0x182: {  	p2 =	sne.s32 s19, $0x3  }
.Ltmp10:
0x183: {  	_ = 	snop;
	(pc) =	sbr.rel @!p2 .LBB2_16-.Ltmp10, $3  }
0x184: {  	_ =	sdelay $0x1  }
0x185: {  	v11 =	vld.idx.msk [tilespmem:v7+s14+$0x0], vm0  }
0x186: {  	s20 =	simm.s32 $0x3;
	p1 =	por $0x1, $0x1;
	vm1 =	vmmov vm3;
	v12 =	vld.idx.msk [tilespmem:v6+s14+$0x0], vm3  }
.LBB2_15:
0x187: {  	_ = 	snop  }
0x188: {  	vm2 =	vgt.s32 v8, s20  }
0x189: {  	v13 =	vadd.s32 s20, v3;
	vm3 =	vgt.s32 v9, s20;
	s21 =	sadd.s32 $0x1000, s20;
	s20 =	sadd.s32 $0x1, s20;
	v14, v15, _ =	vpop (xrf1)  }
0x18a: {  	v16 =	vadd.s32 s21, v3;
	p2 =	sne.s32 s20, s19;
	v17, v18, _ =	vpop (xrf1)  }
0x18b: {  	v11 =	vnsel vm0, $0x7F800000, v11;
	v14 =	vperm.xlane v14, v10;
	vm0 =	vmmov vm2  }
0x18c: {  	v12 =	vnsel vm1, $0x7F800000, v12;
	(xrf1) =	vsort.ascd.msk.f32 $0xffff, v11, v7;
	v11 =	vperm.xlane v15, v10;
	v15 =	vperm.xlane v17, v10;
	v17, v19, _ =	vpop (xrf1)  }
0x18d: {  	vm1 =	vmmov vm3;
	(xrf1) =	vsort.ascd.msk.f32 $0xffff, v12, v6;
	vm4 =	vle.f32 v17, v14;
	v12 =	vperm.xlane v18, v10;
	v18, v20, _ =	vpop (xrf1)  }
0x18e: {  	v7 =	vld.idx.msk [tilespmem:v13+s13+$0x0], vm2;
	v13 =	vsel vm4, v17, v14;
	v11 =	vsel vm4, v19, v11;
	vm2 =	vle.f32 v18, v15  }
0x18f: {  	v6 =	vld.idx.msk [tilespmem:v16+s13+$0x0], vm3;
	v14 =	vsel vm2, v18, v15;
	v12 =	vsel vm2, v20, v12;
	(xrf1) =	vsort.ascd.msk.f32 $0xffff, v13, v11  }
0x190: {  	(xrf1) =	vsort.ascd.msk.f32 $0xffff, v14, v12;
	_ =	sdelay $0x2  }
.Ltmp11:
0x191: {  	(pc) =	sbr.rel @p2 .LBB2_15-.Ltmp11, $3  }
0x192: {  	_ =	sdelay $0x1  }
0x193: {  	v11 =	vld.idx.msk [tilespmem:v7+s14+$0x0], vm0  }
0x194: {  	v12 =	vld.idx.msk [tilespmem:v6+s14+$0x0], vm3  }
.LBB2_16:
0x195: {  	_ =	sdelay $0x2  }
0x196: {  	v11 =	vnsel vm0, $0x7F800000, v11  }
0x197: {  	v3 =	vmul.u32 @p0 $0xFFFFFFFF, v0  }
0x198: {  	v8, v9, _ =	vpop @p0 (xrf1);
	v12 =	vnsel vm1, $0x7F800000, v12  }
0x199: {  	v3 =	vadd.s32 @p0 $0xF, v3;
	v10, v13, _ =	vpop @p0 (xrf1)  }
0x19a: {  	v8 =	vperm.xlane @p0 v8, v3;
	(xrf1) =	vsort.ascd.msk.f32 $0xffff, v11, v7;
	v7 =	vperm.xlane @p0 v9, v3;
	v9, v11, _ =	vpop @p1 (xrf1)  }
0x19b: {  	v10 =	vperm.xlane @p0 v10, v3;
	(xrf1) =	vsort.ascd.msk.f32 $0xffff, v12, v6;
	v6 =	vpsel p1, v9, v5  }
0x19c: {  	v3 =	vperm.xlane @p0 v13, v3;
	v9, v12, _ =	vpop @p1 (xrf1);
	v11 =	vpsel p1, v11, v4;
	vm0 =	vle.f32 @p0 v6, v8  }
0x19d: {  	v6 =	vsel @p0 vm0, v6, v8;
	v7 =	vsel @p0 vm0, v11, v7;
	v8 =	vpsel p1, v9, v5  }
0x19e: {  	v9 =	vpsel p1, v12, v4;
	vm0 =	vle.f32 @p0 v8, v10;
	(xrf1) =	vsort.ascd.msk.f32 @p0 $0xffff, v6, v7  }
0x19f: {  	v6 =	vsel @p0 vm0, v8, v10;
	v3 =	vsel @p0 vm0, v9, v3  }
0x1a0: {  	(xrf1) =	vsort.ascd.msk.f32 @p0 $0xffff, v6, v3;
	_ =	sdelay $0x8  }
0x1a1: {  	v3 =	vmul.u32 $0xFFFFFFFF, v0  }
0x1a2: {  	v6, v7, _ =	vpop (xrf1)  }
0x1a3: {  	v3 =	vadd.s32 $0xF, v3;
	v8, v62, _ =	vpop (xrf1)  }
0x1a4: {  	v6 =	vperm.xlane v6, v3;
	v10, v11, _ =	vpop @p0 (xrf1)  }
0x1a5: {  	v7 =	vperm.xlane v7, v3;
	v10 =	vpsel p0, v10, v5  }
0x1a6: {  	v8 =	vperm.xlane v8, v3;
	v3 =	vperm.xlane v62, v3;
	vm14 =	vle.f32 v10, v6;
	v9, v12, _ =	vpop @p0 (xrf1)  }
0x1a7: {  	v63 =	vpsel p0, v11, v4;
	v6 =	vsel vm14, v10, v6;
	v5 =	vpsel p0, v9, v5  }
0x1a8: {  	v7 =	vsel vm14, v63, v7;
	v4 =	vpsel p0, v12, v4;
	vm15 =	vle.f32 v5, v8  }
0x1a9: {  	(xrf1) =	vsort.ascd.msk.f32 $0xffff, v6, v7;
	v5 =	vsel vm15, v5, v8;
	v3 =	vsel vm15, v4, v3  }
0x1aa: {  	(xrf1) =	vsort.ascd.msk.f32 $0xffff, v5, v3;
	_ =	sdelay $0xa  }
.Ltmp12:
0x1ab: {  	_ = 	snop;
	(pc) =	sbr.rel .LBB2_17-.Ltmp12, $4  }
0x1ac: {  	_ = 	snop  }
0x1ad: {  	v5, v4, _ =	vpop (xrf1)  }
0x1ae: {  	v6, v3, _ =	vpop (xrf1)  }
0x1af: {  	v3 =	vadd.s32 $0xFFFFF000, v3  }
.LBB2_11:
.Ltmp13:
0x1b0: {  	(pc) =	sbr.rel .LBB2_16-.Ltmp13, $2  }
0x1b1: {  	_ =	sdelay $0x2  }
0x1b2: {  	_ = 	snop  }
.LBB2_13:
.Ltmp14:
0x1b3: {  	(pc) =	sbr.rel .LBB2_16-.Ltmp14, $2  }
0x1b4: {  	_ =	sdelay $0x2  }
0x1b5: {  	_ = 	snop  }
.LBB2_19:
0x1b6: {  	_ =	sfence.sel $0x180000  }
0x1b7: {  	[bflag:$0x0] =	sbarrier.arrive $0xFFFF  }
0x1b8: {  	p0 =	sne.s32 s0, $0x0;
	_ =	strace $0x90000047  }
0x1b9: {  	s0 =	sadd.s32 @!p0 $0x100000, s1;
	[bflag:$0x2] =	sbarrier.arrive $0xFFFF  }
0x1ba: {  	[sflag:s0] =	ssyncadd.tile.s32 @!p0 $0x1;
	_ =	shalt  }
.Lfunc_end2:
_tile_overlayer_lowered:
.L_overlay_start_2:
0x1bb: {  	(tag) =	ssettag $0x2  }
0x1bc: {  	s0 =	rddreg [dreg:$0x0];
	s2 =	stileid.u32  }
0x1bd: {  	s1 =	rddreg [dreg:$0x1];
	p0 =	sne.s32 s2, $0x0  }
0x1be: {  	s3 =	rddreg [dreg:$0x2];
	[bflag:$0x3] =	sbarrier.arrive $0xFFFF;
	s2 =	simm.s32 @!p0 $0x1C01  }
0x1bf: {  	[timem:s3], [sflag:s2] =	dma.local @!p0 [hbm:s0], s1  }
0x1c0: {  	s0 =	simm.s32 @!p0 $0x1  }
0x1c1: {  	_ =	swait.ge @!p0 [sflag:s0], s1  }
0x1c2: {  	s1 =	ssub.s32 @!p0 $0x0, s1;
	[sflag:s0] =	ssyncset.done @!p0 $0x0  }
0x1c3: {  	[sflag:s0] =	ssyncadd.s32 @!p0 s1  }
0x1c4: {  	[bflag:$0x3] =	sbarrier.arrive $0xFFFF  }
0x1c5: {  	_ =	shalt  }

</sc_bundles>
